<compile_context>
chip_gen: v7x
topology: tpu7x:2x2x1
jax: 0.10.2.dev20260603
libtpu: 0.0.44.dev20260713+nightly
codegen_flags: <defaults>
</compile_context>

<pallas_src>
import functools

import jax
import jax.numpy as jnp
import numpy as _np
from jax import lax
from jax.experimental import pallas as pl
from jax.experimental.pallas import tpu as pltpu
from jax.experimental.pallas import tpu_sc as plsc

U = 8192
D_IN = 128
GX = 256
GY = 256
F = 32
PPR = 4
LW = 128
XSTR = 288
GP = 258
NFLAT = GP * XSTR
NP = NFLAT // PPR
FP4 = 80
R4 = 2448
NSTEP = 8
SLAB4 = 2624
PBIG = (NSTEP - 1) * R4 + SLAB4
HALF4 = PBIG // 2
TRASH = HALF4
SPR = HALF4 + 1
TILE_U = U // 16
ZCH = 616
ZTL = HALF4 - 16 * ZCH
ROW_LO = 152
ROW_HI = 18584
EPS = 1e-6

_l = _np.arange(SLAB4)
_XMASK_NP = (((_l - FP4) % 72) < 64).astype(_np.float32).reshape(SLAB4, 1)


def _ln(x, scale, bias):
    m = jnp.mean(x, axis=-1, keepdims=True)
    v = jnp.mean((x - m) * (x - m), axis=-1, keepdims=True)
    return (x - m) * jax.lax.rsqrt(v + EPS) * scale + bias



def _mlp_body(z_ref, ne_ref, xq_ref, t4_ref, s0_ref, t0_ref, w0_ref, b0_ref,
              s1_ref, t1_ref, w1_ref, b1_ref,
              s2_ref, t2_ref, w2_ref, b2_ref, out_ref):
    h = z_ref[...]
    h = _ln(h, s0_ref[...], t0_ref[...])
    h = jnp.maximum(h, 0.0)
    h = jnp.dot(h, w0_ref[...], preferred_element_type=jnp.float32) + b0_ref[...]
    h = _ln(h, s1_ref[...], t1_ref[...])
    h = jnp.maximum(h, 0.0)
    h = jnp.dot(h, w1_ref[...], preferred_element_type=jnp.float32) + b1_ref[...]
    h = _ln(h, s2_ref[...], t2_ref[...])
    h = jnp.maximum(h, 0.0)
    h = jnp.dot(h, w2_ref[...], preferred_element_type=jnp.float32) + b2_ref[...]
    h = h * ne_ref[...].astype(jnp.float32)
    laneq = lax.broadcasted_iota(jnp.int32, (1, LW), 1) // F
    m4 = (laneq == (xq_ref[...] & 3)).astype(jnp.float32)
    out_ref[...] = jnp.dot(h, t4_ref[...],
                           preferred_element_type=jnp.float32) * m4


def _run_mlp(z, ne_f32, xq, params):
    blk = 1024
    grid = U // blk
    t4 = jnp.tile(jnp.eye(F, dtype=jnp.float32), (1, PPR))
    full = lambda shape: pl.BlockSpec(shape, lambda i: (0, 0))
    in_specs = [
        pl.BlockSpec((blk, D_IN), lambda i: (i, 0)),
        pl.BlockSpec((blk, 1), lambda i: (i, 0)),
        pl.BlockSpec((blk, 1), lambda i: (i, 0)),
        full((F, LW)),
        full((1, 128)), full((1, 128)), full((128, 128)), full((1, 128)),
        full((1, 128)), full((1, 128)), full((128, 64)), full((1, 64)),
        full((1, 64)), full((1, 64)), full((64, 32)), full((1, 32)),
    ]
    return pl.pallas_call(
        _mlp_body,
        grid=(grid,),
        in_specs=in_specs,
        out_specs=pl.BlockSpec((blk, LW), lambda i: (i, 0)),
        out_shape=jax.ShapeDtypeStruct((U, LW), jnp.float32),
    )(z, ne_f32, xq, t4, *params)



def _scatter_body(h_hbm, x_hbm, y_hbm, zeros_hbm, out_hbm,
                  shared, idx2d, xb, yb, emb):
    c = lax.axis_index("c")
    s = lax.axis_index("s")

    pltpu.sync_copy(zeros_hbm.at[pl.ds(0, ZCH)],
                    shared.at[pl.ds(s * ZCH, ZCH)])

    @pl.when(s == 0)
    def _():
        pltpu.sync_copy(zeros_hbm.at[pl.ds(0, ZTL)],
                        shared.at[pl.ds(16 * ZCH, ZTL)])

    base_u = s * TILE_U
    pltpu.sync_copy(x_hbm.at[pl.ds(base_u, TILE_U)], xb)
    pltpu.sync_copy(y_hbm.at[pl.ds(base_u, TILE_U)], yb)

    half_base = c * HALF4
    plsc.subcore_barrier()
    for r in range(2):
        pltpu.sync_copy(h_hbm.at[pl.ds(base_u + r * 256, 256)], emb)
        for j in range(16):
            xv = xb[pl.ds(r * 256 + j * 16, 16)]
            yv = yb[pl.ds(r * 256 + j * 16, 16)]
            pf = yv * XSTR + xv + XSTR
            row = lax.shift_right_logical(pf, 2) + (FP4 - half_base)
            valid = (row >= 0) & (row < HALF4)
            idx = jnp.where(valid, row, TRASH)
            idx2d[j // 8, pl.ds((j % 8) * 16, 16)] = idx
        for q in range(2):
            pltpu.sync_copy(emb.at[pl.ds(q * 128, 128)],
                            shared.at[idx2d.at[q]], add=True)
    plsc.subcore_barrier()

    out_base = c * HALF4 + s * ZCH
    pltpu.sync_copy(shared.at[pl.ds(s * ZCH, ZCH)],
                    out_hbm.at[pl.ds(out_base, ZCH)])

    @pl.when(s == 0)
    def _():
        pltpu.sync_copy(shared.at[pl.ds(16 * ZCH, ZTL)],
                        out_hbm.at[pl.ds(c * HALF4 + 16 * ZCH, ZTL)])


def _run_scatter(h128, unit_x, unit_y):
    zeros = jnp.zeros((ZCH, LW), jnp.float32)
    mesh = plsc.VectorSubcoreMesh(core_axis_name="c", subcore_axis_name="s",
                                  num_cores=2, num_subcores=16)
    fn = pl.kernel(
        _scatter_body,
        out_type=jax.ShapeDtypeStruct((PBIG, LW), jnp.float32),
        mesh=mesh,
        scratch_types=[
            pltpu.VMEM_SHARED((SPR, LW), jnp.float32),
            pltpu.VMEM((2, 128), jnp.int32),
            pltpu.VMEM((TILE_U,), jnp.int32),
            pltpu.VMEM((TILE_U,), jnp.int32),
            pltpu.VMEM((256, LW), jnp.float32),
        ],
        compiler_params=pltpu.CompilerParams(use_tc_tiling_on_sc=True),
    )
    return fn(h128, unit_x, unit_y, zeros)



def _conv_body(g_hbm, xm_ref, bd_ref, sf_ref, tf_ref, w9_ref, cb_ref,
               out_ref, gbuf, sem_g):
    i = pl.program_id(0)
    slot = lax.rem(i, 2)
    nxt = lax.rem(i + 1, 2)

    def _start(step, buf_slot):
        pltpu.make_async_copy(g_hbm.at[pl.ds(step * R4, SLAB4)],
                              gbuf.at[buf_slot], sem_g.at[buf_slot]).start()

    @pl.when(i == 0)
    def _():
        _start(i, slot)

    @pl.when(i + 1 < NSTEP)
    def _():
        _start(i + 1, nxt)

    pltpu.make_async_copy(g_hbm.at[pl.ds(i * R4, SLAB4)],
                          gbuf.at[slot], sem_g.at[slot]).wait()

    g = gbuf[slot]
    m1 = jnp.dot(g, bd_ref[...], preferred_element_type=jnp.float32)
    q2 = jnp.dot(g * g, bd_ref[...], preferred_element_type=jnp.float32)
    v = q2 - m1 * m1
    a = (g - m1) * jax.lax.rsqrt(v + EPS) * sf_ref[...] + tf_ref[...]
    a = jnp.maximum(a, 0.0)
    rows = lax.broadcasted_iota(jnp.int32, (SLAB4, 1), 0) + i * R4
    rm = ((rows >= ROW_LO) & (rows < ROW_HI)).astype(jnp.float32)
    a = a * (xm_ref[...] * rm)

    wl = SLAB4 - 16
    a0 = lax.slice(a, (8, 0), (8 + wl, LW))
    anx = lax.slice(a, (9, 0), (9 + wl, LW))
    apv = lax.slice(a, (7, 0), (7 + wl, LW))
    lane = lax.broadcasted_iota(jnp.int32, (wl, LW), 1)
    ap1 = jnp.where(lane < 96, pltpu.roll(a0, LW - F, 1),
                    pltpu.roll(anx, 96, 1))
    am1 = jnp.where(lane >= F, pltpu.roll(a0, F, 1), pltpu.roll(apv, F, 1))
    variants = (am1, a0, ap1)

    acc = jnp.broadcast_to(cb_ref[...], (R4, LW))
    for kh in range(3):
        for kw in range(3):
            sl = lax.slice(variants[kw], (72 * kh, 0), (72 * kh + R4, LW))
            acc = acc + jnp.dot(sl, w9_ref[3 * kh + kw],
                                preferred_element_type=jnp.float32)
    out_ref[...] = acc


def _run_conv(grid_p, ln_scale_f, ln_bias_f, conv_w, conv_b):
    eye4 = jnp.eye(PPR, dtype=jnp.float32)
    w9 = jnp.stack([jnp.kron(eye4, conv_w[kh, kw])
                    for kh in range(3) for kw in range(3)])
    bd = jnp.kron(eye4, jnp.full((F, F), 1.0 / F, jnp.float32))
    tile4 = lambda ve: jnp.tile(ve.reshape(1, F), (1, PPR))
    xmask = jnp.asarray(_XMASK_NP)
    out = pl.pallas_call(
        _conv_body,
        grid=(NSTEP,),
        in_specs=[
            pl.BlockSpec(memory_space=pl.ANY),
            pl.BlockSpec((SLAB4, 1), lambda i: (0, 0)),
            pl.BlockSpec((LW, LW), lambda i: (0, 0)),
            pl.BlockSpec((1, LW), lambda i: (0, 0)),
            pl.BlockSpec((1, LW), lambda i: (0, 0)),
            pl.BlockSpec((9, LW, LW), lambda i: (0, 0, 0)),
            pl.BlockSpec((1, LW), lambda i: (0, 0)),
        ],
        out_specs=pl.BlockSpec((R4, LW), lambda i: (i, 0)),
        out_shape=jax.ShapeDtypeStruct((NSTEP * R4, LW), jnp.float32),
        scratch_shapes=[
            pltpu.VMEM((2, SLAB4, LW), jnp.float32),
            pltpu.SemaphoreType.DMA((2,)),
        ],
        compiler_params=pltpu.CompilerParams(vmem_limit_bytes=63 * 2**20),
    )(grid_p, xmask, bd, tile4(ln_scale_f), tile4(ln_bias_f), w9,
      tile4(conv_b))
    out = out[:GP * 72].reshape(GP, 72, LW)[1:GY + 1, :GX // PPR, :]
    return out.reshape(GY, GX, F)


def kernel(z, unit_x, unit_y, non_empty_units, ln_scale_0, ln_bias_0, w0, b0,
           ln_scale_1, ln_bias_1, w1, b1, ln_scale_2, ln_bias_2, w2, b2,
           ln_scale_f, ln_bias_f, conv_w, conv_b):
    ne = non_empty_units.reshape(U, 1)
    xq = unit_x.reshape(U, 1)
    params = (ln_scale_0.reshape(1, -1), ln_bias_0.reshape(1, -1), w0,
              b0.reshape(1, -1),
              ln_scale_1.reshape(1, -1), ln_bias_1.reshape(1, -1), w1,
              b1.reshape(1, -1),
              ln_scale_2.reshape(1, -1), ln_bias_2.reshape(1, -1), w2,
              b2.reshape(1, -1))
    h128 = _run_mlp(z, ne, xq, params)
    grid_p = _run_scatter(h128, unit_x, unit_y)
    return _run_conv(grid_p, ln_scale_f, ln_bias_f, conv_w, conv_b)

# --- scband reference (transcript-rebuilt; emitter-appended) ---
"""Pipeline reference for scband-to-visual-scatter-35253091565775 (READ-ONLY COPY).

The authoritative reference and input builder live on the scoring server;
editing this copy changes nothing except your own understanding.
"""

import jax, jax.numpy as jnp
import numpy as np

U = 8192
D_IN = 128
HIDDEN = [128, 64, 32]
GX = 256
GY = 256
K = 3


def _ln(x, scale, bias, eps=1e-6):
    m = jnp.mean(x, axis=-1, keepdims=True)
    v = jnp.var(x, axis=-1, keepdims=True)
    return (x - m) / jnp.sqrt(v + eps) * scale + bias


def setup_inputs(seed: int = 0):
    key = jax.random.key(seed)
    ks = jax.random.split(key, 16)
    inp = {}
    inp["z"] = jax.random.normal(ks[0], (U, D_IN), dtype=jnp.float32)
    inp["unit_x"] = jax.random.randint(ks[1], (U,), 0, GX, dtype=jnp.int32)
    inp["unit_y"] = jax.random.randint(ks[2], (U,), 0, GY, dtype=jnp.int32)
    inp["non_empty_units"] = jax.random.randint(ks[3], (U,), 0, 2).astype(jnp.bool_)
    d_prev = D_IN
    for i, h in enumerate(HIDDEN):
        inp["ln_scale_%d" % i] = jnp.ones((d_prev,), dtype=jnp.float32)
        inp["ln_bias_%d" % i] = jnp.zeros((d_prev,), dtype=jnp.float32)
        inp["w%d" % i] = jax.random.normal(ks[4 + i], (d_prev, h), dtype=jnp.float32) * (1.0 / np.sqrt(d_prev))
        inp["b%d" % i] = jnp.zeros((h,), dtype=jnp.float32)
        d_prev = h
    inp["ln_scale_f"] = jnp.ones((d_prev,), dtype=jnp.float32)
    inp["ln_bias_f"] = jnp.zeros((d_prev,), dtype=jnp.float32)
    inp["conv_w"] = jax.random.normal(ks[10], (K, K, d_prev, d_prev), dtype=jnp.float32) * 0.05
    inp["conv_b"] = jnp.zeros((d_prev,), dtype=jnp.float32)
    return inp


def reference(z, unit_x, unit_y, non_empty_units,
              ln_scale_0, ln_bias_0, w0, b0,
              ln_scale_1, ln_bias_1, w1, b1,
              ln_scale_2, ln_bias_2, w2, b2,
              ln_scale_f, ln_bias_f, conv_w, conv_b):
    ne = non_empty_units[:, jnp.newaxis]
    layers = [(ln_scale_0, ln_bias_0, w0, b0),
              (ln_scale_1, ln_bias_1, w1, b1),
              (ln_scale_2, ln_bias_2, w2, b2)]
    h = z
    for s, bb, w, b in layers:
        h = _ln(h, s, bb)
        h = jax.nn.relu(h)
        h = h @ w + b
    h = jnp.where(ne, h, 0)
    oh_x = jax.nn.one_hot(unit_x, GX, dtype=h.dtype)
    oh_y = jax.nn.one_hot(unit_y, GY, dtype=h.dtype)
    h = jnp.einsum('uy,uf->uyf', oh_y, h)
    h = jnp.einsum('ux,uyf->yxf', oh_x, h)
    h = _ln(h, ln_scale_f, ln_bias_f)
    h = jax.nn.relu(h)
    out = jax.lax.conv_general_dilated(h[jnp.newaxis], conv_w,
                                       window_strides=(1, 1), padding='SAME',
                                       dimension_numbers=('NHWC', 'HWIO', 'NHWC'))
    out = out + conv_b
    return out[0]

if __name__ == "__main__":
    import jax
    _d = setup_inputs()
    print(jax.jit(kernel)(*tuple(_d.values())))

</pallas_src>

<mosaic_0001>
#map = affine_map<(d0, d1) -> (0, 0)>
#map1 = affine_map<(d0, d1) -> (0)>
module attributes {stable_mosaic.version = 14 : i64} {
  func.func @_scatter_body(%arg0: i32, %arg1: i32, %arg2: memref<8192x128xf32, #tpu.memory_space<hbm>>, %arg3: memref<8192xi32, #tpu.memory_space<hbm>>, %arg4: memref<8192xi32, #tpu.memory_space<hbm>>, %arg5: memref<616x128xf32, #tpu.memory_space<hbm>>, %arg6: memref<19760x128xf32, #tpu.memory_space<hbm>>, %arg7: memref<9881x128xf32, #tpu.memory_space<vmem_shared>>, %arg8: memref<2x128xi32, #tpu.memory_space<vmem>>, %arg9: memref<512xi32, #tpu.memory_space<vmem>>, %arg10: memref<512xi32, #tpu.memory_space<vmem>>, %arg11: memref<256x128xf32, #tpu.memory_space<vmem>>) attributes {dimension_semantics = [#tpu.dimension_semantics<core_parallel>, #tpu.dimension_semantics<subcore_parallel>], iteration_bounds = array<i64: 2, 16>, scalar_prefetch = 0 : i64, scratch_operands = 5 : i64, tpu.core_type = #tpu.core_type<sc_vector_subcore>, window_params = [{transform_indices = #map}, {transform_indices = #map1}, {transform_indices = #map1}, {transform_indices = #map}, {transform_indices = #map}]} {
    %mul3A = arith.constant 616 : i32
    %mul3A_0 = arith.muli %arg1, %mul3A : i32
    "tpu.region"() ({
      %run_scoped3A_1168 = tpu.sem_alloc : memref<!tpu.dma_semaphore, #tpu.memory_space<semaphore_mem>>
      %dma_start3A = arith.constant 0 : i32
      %dma_start3A_1169 = tpu.memref_slice %arg7[%mul3A_0, %dma_start3A] : memref<9881x128xf32, #tpu.memory_space<vmem_shared>> -> memref<616x128xf32, #tpu.memory_space<vmem_shared>>
      %dma_start3A_1170 = arith.constant 0 : i32
      %dma_start3A_1171 = arith.constant 0 : i32
      %dma_start3A_1172 = tpu.memref_slice %arg5[%dma_start3A_1170, %dma_start3A_1171] : memref<616x128xf32, #tpu.memory_space<hbm>> -> memref<616x128xf32, #tpu.memory_space<hbm>>
      tpu.enqueue_dma source(%dma_start3A_1172 : memref<616x128xf32, #tpu.memory_space<hbm>>) target(%dma_start3A_1169 : memref<616x128xf32, #tpu.memory_space<vmem_shared>>) target_semaphore(%run_scoped3A_1168 : memref<!tpu.dma_semaphore, #tpu.memory_space<semaphore_mem>>)
      %dma_wait3A = arith.constant 0 : i32
      %dma_wait3A_1173 = tpu.memref_slice %arg7[%mul3A_0, %dma_wait3A] : memref<9881x128xf32, #tpu.memory_space<vmem_shared>> -> memref<616x128xf32, #tpu.memory_space<vmem_shared>>
      %dma_wait3A_1174 = arith.constant 0 : i32
      %dma_wait3A_1175 = arith.constant 0 : i32
      %dma_wait3A_1176 = tpu.memref_slice %arg5[%dma_wait3A_1174, %dma_wait3A_1175] : memref<616x128xf32, #tpu.memory_space<hbm>> -> memref<616x128xf32, #tpu.memory_space<hbm>>
      tpu.wait_dma2 semaphore(%run_scoped3A_1168 : memref<!tpu.dma_semaphore, #tpu.memory_space<semaphore_mem>>) src(%dma_wait3A_1176 : memref<616x128xf32, #tpu.memory_space<hbm>>) dst(%dma_wait3A_1173 : memref<616x128xf32, #tpu.memory_space<vmem_shared>>)
      tpu.yield
    }) : () -> ()
    %eq3A = arith.constant 0 : i32
    %eq3A_1 = arith.cmpi eq, %arg1, %eq3A : i32
    %convert_element_type3A = arith.extui %eq3A_1 : i1 to i32
    %cond3A = arith.constant 0 : i32
    %cond3A_2 = arith.cmpi ne, %convert_element_type3A, %cond3A : i32
    scf.if %cond3A_2 {
      "tpu.region"() ({
        %run_scoped3A_1168 = tpu.sem_alloc : memref<!tpu.dma_semaphore, #tpu.memory_space<semaphore_mem>>
        %dma_start3A = arith.constant 9856 : i32
        %dma_start3A_1169 = arith.constant 0 : i32
        %dma_start3A_1170 = tpu.memref_slice %arg7[%dma_start3A, %dma_start3A_1169] : memref<9881x128xf32, #tpu.memory_space<vmem_shared>> -> memref<24x128xf32, #tpu.memory_space<vmem_shared>>
        %dma_start3A_1171 = arith.constant 0 : i32
        %dma_start3A_1172 = arith.constant 0 : i32
        %dma_start3A_1173 = tpu.memref_slice %arg5[%dma_start3A_1171, %dma_start3A_1172] : memref<616x128xf32, #tpu.memory_space<hbm>> -> memref<24x128xf32, #tpu.memory_space<hbm>>
        tpu.enqueue_dma source(%dma_start3A_1173 : memref<24x128xf32, #tpu.memory_space<hbm>>) target(%dma_start3A_1170 : memref<24x128xf32, #tpu.memory_space<vmem_shared>>) target_semaphore(%run_scoped3A_1168 : memref<!tpu.dma_semaphore, #tpu.memory_space<semaphore_mem>>)
        %dma_wait3A = arith.constant 9856 : i32
        %dma_wait3A_1174 = arith.constant 0 : i32
        %dma_wait3A_1175 = tpu.memref_slice %arg7[%dma_wait3A, %dma_wait3A_1174] : memref<9881x128xf32, #tpu.memory_space<vmem_shared>> -> memref<24x128xf32, #tpu.memory_space<vmem_shared>>
        %dma_wait3A_1176 = arith.constant 0 : i32
        %dma_wait3A_1177 = arith.constant 0 : i32
        %dma_wait3A_1178 = tpu.memref_slice %arg5[%dma_wait3A_1176, %dma_wait3A_1177] : memref<616x128xf32, #tpu.memory_space<hbm>> -> memref<24x128xf32, #tpu.memory_space<hbm>>
        tpu.wait_dma2 semaphore(%run_scoped3A_1168 : memref<!tpu.dma_semaphore, #tpu.memory_space<semaphore_mem>>) src(%dma_wait3A_1178 : memref<24x128xf32, #tpu.memory_space<hbm>>) dst(%dma_wait3A_1175 : memref<24x128xf32, #tpu.memory_space<vmem_shared>>)
        tpu.yield
      }) : () -> ()
    } else {
    }
    %mul3A_3 = arith.constant 512 : i32
    %mul3A_4 = arith.muli %arg1, %mul3A_3 : i32
    "tpu.region"() ({
      %run_scoped3A_1168 = tpu.sem_alloc : memref<!tpu.dma_semaphore, #tpu.memory_space<semaphore_mem>>
      %dma_start3A = tpu.memref_slice %arg3[%mul3A_4] : memref<8192xi32, #tpu.memory_space<hbm>> -> memref<512xi32, #tpu.memory_space<hbm>>
      %dma_start3A_1169 = tpu.memref_slice %arg3[%mul3A_4] : memref<8192xi32, #tpu.memory_space<hbm>> -> memref<512xi32, #tpu.memory_space<hbm>>
      tpu.enqueue_dma source(%dma_start3A_1169 : memref<512xi32, #tpu.memory_space<hbm>>) target(%arg9 : memref<512xi32, #tpu.memory_space<vmem>>) target_semaphore(%run_scoped3A_1168 : memref<!tpu.dma_semaphore, #tpu.memory_space<semaphore_mem>>)
      %dma_wait3A = tpu.memref_slice %arg3[%mul3A_4] : memref<8192xi32, #tpu.memory_space<hbm>> -> memref<512xi32, #tpu.memory_space<hbm>>
      %dma_wait3A_1170 = tpu.memref_slice %arg3[%mul3A_4] : memref<8192xi32, #tpu.memory_space<hbm>> -> memref<512xi32, #tpu.memory_space<hbm>>
      tpu.wait_dma2 semaphore(%run_scoped3A_1168 : memref<!tpu.dma_semaphore, #tpu.memory_space<semaphore_mem>>) src(%dma_wait3A_1170 : memref<512xi32, #tpu.memory_space<hbm>>) dst(%arg9 : memref<512xi32, #tpu.memory_space<vmem>>)
      tpu.yield
    }) : () -> ()
    "tpu.region"() ({
      %run_scoped3A_1168 = tpu.sem_alloc : memref<!tpu.dma_semaphore, #tpu.memory_space<semaphore_mem>>
      %dma_start3A = tpu.memref_slice %arg4[%mul3A_4] : memref<8192xi32, #tpu.memory_space<hbm>> -> memref<512xi32, #tpu.memory_space<hbm>>
      %dma_start3A_1169 = tpu.memref_slice %arg4[%mul3A_4] : memref<8192xi32, #tpu.memory_space<hbm>> -> memref<512xi32, #tpu.memory_space<hbm>>
      tpu.enqueue_dma source(%dma_start3A_1169 : memref<512xi32, #tpu.memory_space<hbm>>) target(%arg10 : memref<512xi32, #tpu.memory_space<vmem>>) target_semaphore(%run_scoped3A_1168 : memref<!tpu.dma_semaphore, #tpu.memory_space<semaphore_mem>>)
      %dma_wait3A = tpu.memref_slice %arg4[%mul3A_4] : memref<8192xi32, #tpu.memory_space<hbm>> -> memref<512xi32, #tpu.memory_space<hbm>>
      %dma_wait3A_1170 = tpu.memref_slice %arg4[%mul3A_4] : memref<8192xi32, #tpu.memory_space<hbm>> -> memref<512xi32, #tpu.memory_space<hbm>>
      tpu.wait_dma2 semaphore(%run_scoped3A_1168 : memref<!tpu.dma_semaphore, #tpu.memory_space<semaphore_mem>>) src(%dma_wait3A_1170 : memref<512xi32, #tpu.memory_space<hbm>>) dst(%arg10 : memref<512xi32, #tpu.memory_space<vmem>>)
      tpu.yield
    }) : () -> ()
    %mul3A_5 = arith.constant 9880 : i32
    %mul3A_6 = arith.muli %arg0, %mul3A_5 : i32
    %barrier3A = arith.constant 0 : index
    tpu.barrier barrier_id(%barrier3A)
    %add3A = arith.constant 0 : i32
    %add3A_7 = arith.addi %mul3A_4, %add3A : i32
    "tpu.region"() ({
      %run_scoped3A_1168 = tpu.sem_alloc : memref<!tpu.dma_semaphore, #tpu.memory_space<semaphore_mem>>
      %dma_start3A = arith.constant 0 : i32
      %dma_start3A_1169 = tpu.memref_slice %arg2[%add3A_7, %dma_start3A] : memref<8192x128xf32, #tpu.memory_space<hbm>> -> memref<256x128xf32, #tpu.memory_space<hbm>>
      %dma_start3A_1170 = arith.constant 0 : i32
      %dma_start3A_1171 = tpu.memref_slice %arg2[%add3A_7, %dma_start3A_1170] : memref<8192x128xf32, #tpu.memory_space<hbm>> -> memref<256x128xf32, #tpu.memory_space<hbm>>
      tpu.enqueue_dma source(%dma_start3A_1171 : memref<256x128xf32, #tpu.memory_space<hbm>>) target(%arg11 : memref<256x128xf32, #tpu.memory_space<vmem>>) target_semaphore(%run_scoped3A_1168 : memref<!tpu.dma_semaphore, #tpu.memory_space<semaphore_mem>>)
      %dma_wait3A = arith.constant 0 : i32
      %dma_wait3A_1172 = tpu.memref_slice %arg2[%add3A_7, %dma_wait3A] : memref<8192x128xf32, #tpu.memory_space<hbm>> -> memref<256x128xf32, #tpu.memory_space<hbm>>
      %dma_wait3A_1173 = arith.constant 0 : i32
      %dma_wait3A_1174 = tpu.memref_slice %arg2[%add3A_7, %dma_wait3A_1173] : memref<8192x128xf32, #tpu.memory_space<hbm>> -> memref<256x128xf32, #tpu.memory_space<hbm>>
      tpu.wait_dma2 semaphore(%run_scoped3A_1168 : memref<!tpu.dma_semaphore, #tpu.memory_space<semaphore_mem>>) src(%dma_wait3A_1174 : memref<256x128xf32, #tpu.memory_space<hbm>>) dst(%arg11 : memref<256x128xf32, #tpu.memory_space<vmem>>)
      tpu.yield
    }) : () -> ()
    %get3A = arith.constant 0 : index
    %get3A_8 = tpu.vector_load %arg9[%get3A] {strides = array<i32>} : memref<512xi32, #tpu.memory_space<vmem>>, vector<16xi32>,
    %get3A_9 = vector.shape_cast %get3A_8 : vector<16xi32> to vector<16xi32>
    %get3A_10 = arith.constant 0 : index
    %get3A_11 = tpu.vector_load %arg10[%get3A_10] {strides = array<i32>} : memref<512xi32, #tpu.memory_space<vmem>>, vector<16xi32>,
    %get3A_12 = vector.shape_cast %get3A_11 : vector<16xi32> to vector<16xi32>
    %mul3A_13 = arith.constant 288 : i32
    %mul3A_14 = vector.broadcast %mul3A_13 : i32 to vector<16xi32>
    %mul3A_15 = arith.muli %get3A_12, %mul3A_14 : vector<16xi32>
    %add3A_16 = arith.addi %mul3A_15, %get3A_9 : vector<16xi32>
    %add3A_17 = arith.constant 288 : i32
    %add3A_18 = vector.broadcast %add3A_17 : i32 to vector<16xi32>
    %add3A_19 = arith.addi %add3A_16, %add3A_18 : vector<16xi32>
    %shift_right_logical3A = arith.constant 2 : i32
    %shift_right_logical3A_20 = vector.broadcast %shift_right_logical3A : i32 to vector<16xi32>
    %shift_right_logical3A_21 = arith.shrui %add3A_19, %shift_right_logical3A_20 : vector<16xi32>
    %sub3A = arith.constant 80 : i32
    %sub3A_22 = arith.subi %sub3A, %mul3A_6 : i32
    %add3A_23 = vector.broadcast %sub3A_22 : i32 to vector<16xi32>
    %add3A_24 = arith.addi %shift_right_logical3A_21, %add3A_23 : vector<16xi32>
    %ge3A = arith.constant 0 : i32
    %ge3A_25 = vector.broadcast %ge3A : i32 to vector<16xi32>
    %ge3A_26 = arith.cmpi sge, %add3A_24, %ge3A_25 : vector<16xi32>
    %lt3A = arith.constant 9880 : i32
    %lt3A_27 = vector.broadcast %lt3A : i32 to vector<16xi32>
    %lt3A_28 = arith.cmpi slt, %add3A_24, %lt3A_27 : vector<16xi32>
    %and3A = arith.andi %ge3A_26, %lt3A_28 : vector<16xi1>
    %jit3A = arith.constant 9880 : i32
    %broadcast_in_dim3A = vector.broadcast %jit3A : i32 to vector<16xi32>
    %select_n3A = arith.select %and3A, %add3A_24, %broadcast_in_dim3A : vector<16xi1>, vector<16xi32>
    %swap3A = arith.constant 0 : i32
    %swap3A_29 = arith.index_cast %swap3A : i32 to index
    %swap3A_30 = arith.constant 0 : index
    %swap3A_31 = tpu.vector_load %arg8[%swap3A_29, %swap3A_30] {strides = array<i32>} : memref<2x128xi32, #tpu.memory_space<vmem>>, vector<1x16xi32>,
    %swap3A_32 = vector.shape_cast %swap3A_31 : vector<1x16xi32> to vector<16xi32>
    %swap3A_33 = vector.shape_cast %select_n3A : vector<16xi32> to vector<1x16xi32>
    tpu.vector_store %arg8[%swap3A_29, %swap3A_30], %swap3A_33 {strides = array<i32>} : memref<2x128xi32, #tpu.memory_space<vmem>>, vector<1x16xi32>,
    %get3A_34 = arith.constant 16 : index
    %get3A_35 = tpu.vector_load %arg9[%get3A_34] {strides = array<i32>} : memref<512xi32, #tpu.memory_space<vmem>>, vector<16xi32>,
    %get3A_36 = vector.shape_cast %get3A_35 : vector<16xi32> to vector<16xi32>
    %get3A_37 = arith.constant 16 : index
    %get3A_38 = tpu.vector_load %arg10[%get3A_37] {strides = array<i32>} : memref<512xi32, #tpu.memory_space<vmem>>, vector<16xi32>,
    %get3A_39 = vector.shape_cast %get3A_38 : vector<16xi32> to vector<16xi32>
    %mul3A_40 = arith.constant 288 : i32
    %mul3A_41 = vector.broadcast %mul3A_40 : i32 to vector<16xi32>
    %mul3A_42 = arith.muli %get3A_39, %mul3A_41 : vector<16xi32>
    %add3A_43 = arith.addi %mul3A_42, %get3A_36 : vector<16xi32>
    %add3A_44 = arith.constant 288 : i32
    %add3A_45 = vector.broadcast %add3A_44 : i32 to vector<16xi32>
    %add3A_46 = arith.addi %add3A_43, %add3A_45 : vector<16xi32>
    %shift_right_logical3A_47 = arith.constant 2 : i32
    %shift_right_logical3A_48 = vector.broadcast %shift_right_logical3A_47 : i32 to vector<16xi32>
    %shift_right_logical3A_49 = arith.shrui %add3A_46, %shift_right_logical3A_48 : vector<16xi32>
    %sub3A_50 = arith.constant 80 : i32
    %sub3A_51 = arith.subi %sub3A_50, %mul3A_6 : i32
    %add3A_52 = vector.broadcast %sub3A_51 : i32 to vector<16xi32>
    %add3A_53 = arith.addi %shift_right_logical3A_49, %add3A_52 : vector<16xi32>
    %ge3A_54 = arith.constant 0 : i32
    %ge3A_55 = vector.broadcast %ge3A_54 : i32 to vector<16xi32>
    %ge3A_56 = arith.cmpi sge, %add3A_53, %ge3A_55 : vector<16xi32>
    %lt3A_57 = arith.constant 9880 : i32
    %lt3A_58 = vector.broadcast %lt3A_57 : i32 to vector<16xi32>
    %lt3A_59 = arith.cmpi slt, %add3A_53, %lt3A_58 : vector<16xi32>
    %and3A_60 = arith.andi %ge3A_56, %lt3A_59 : vector<16xi1>
    %jit3A_61 = arith.constant 9880 : i32
    %broadcast_in_dim3A_62 = vector.broadcast %jit3A_61 : i32 to vector<16xi32>
    %select_n3A_63 = arith.select %and3A_60, %add3A_53, %broadcast_in_dim3A_62 : vector<16xi1>, vector<16xi32>
    %swap3A_64 = arith.constant 0 : i32
    %swap3A_65 = arith.index_cast %swap3A_64 : i32 to index
    %swap3A_66 = arith.constant 16 : index
    %swap3A_67 = tpu.vector_load %arg8[%swap3A_65, %swap3A_66] {strides = array<i32>} : memref<2x128xi32, #tpu.memory_space<vmem>>, vector<1x16xi32>,
    %swap3A_68 = vector.shape_cast %swap3A_67 : vector<1x16xi32> to vector<16xi32>
    %swap3A_69 = vector.shape_cast %select_n3A_63 : vector<16xi32> to vector<1x16xi32>
    tpu.vector_store %arg8[%swap3A_65, %swap3A_66], %swap3A_69 {strides = array<i32>} : memref<2x128xi32, #tpu.memory_space<vmem>>, vector<1x16xi32>,
    %get3A_70 = arith.constant 32 : index
    %get3A_71 = tpu.vector_load %arg9[%get3A_70] {strides = array<i32>} : memref<512xi32, #tpu.memory_space<vmem>>, vector<16xi32>,
    %get3A_72 = vector.shape_cast %get3A_71 : vector<16xi32> to vector<16xi32>
    %get3A_73 = arith.constant 32 : index
    %get3A_74 = tpu.vector_load %arg10[%get3A_73] {strides = array<i32>} : memref<512xi32, #tpu.memory_space<vmem>>, vector<16xi32>,
    %get3A_75 = vector.shape_cast %get3A_74 : vector<16xi32> to vector<16xi32>
    %mul3A_76 = arith.constant 288 : i32
    %mul3A_77 = vector.broadcast %mul3A_76 : i32 to vector<16xi32>
    %mul3A_78 = arith.muli %get3A_75, %mul3A_77 : vector<16xi32>
    %add3A_79 = arith.addi %mul3A_78, %get3A_72 : vector<16xi32>
    %add3A_80 = arith.constant 288 : i32
    %add3A_81 = vector.broadcast %add3A_80 : i32 to vector<16xi32>
    %add3A_82 = arith.addi %add3A_79, %add3A_81 : vector<16xi32>
    %shift_right_logical3A_83 = arith.constant 2 : i32
    %shift_right_logical3A_84 = vector.broadcast %shift_right_logical3A_83 : i32 to vector<16xi32>
    %shift_right_logical3A_85 = arith.shrui %add3A_82, %shift_right_logical3A_84 : vector<16xi32>
    %sub3A_86 = arith.constant 80 : i32
    %sub3A_87 = arith.subi %sub3A_86, %mul3A_6 : i32
    %add3A_88 = vector.broadcast %sub3A_87 : i32 to vector<16xi32>
    %add3A_89 = arith.addi %shift_right_logical3A_85, %add3A_88 : vector<16xi32>
    %ge3A_90 = arith.constant 0 : i32
    %ge3A_91 = vector.broadcast %ge3A_90 : i32 to vector<16xi32>
    %ge3A_92 = arith.cmpi sge, %add3A_89, %ge3A_91 : vector<16xi32>
    %lt3A_93 = arith.constant 9880 : i32
    %lt3A_94 = vector.broadcast %lt3A_93 : i32 to vector<16xi32>
    %lt3A_95 = arith.cmpi slt, %add3A_89, %lt3A_94 : vector<16xi32>
    %and3A_96 = arith.andi %ge3A_92, %lt3A_95 : vector<16xi1>
    %jit3A_97 = arith.constant 9880 : i32
    %broadcast_in_dim3A_98 = vector.broadcast %jit3A_97 : i32 to vector<16xi32>
    %select_n3A_99 = arith.select %and3A_96, %add3A_89, %broadcast_in_dim3A_98 : vector<16xi1>, vector<16xi32>
    %swap3A_100 = arith.constant 0 : i32
    %swap3A_101 = arith.index_cast %swap3A_100 : i32 to index
    %swap3A_102 = arith.constant 32 : index
    %swap3A_103 = tpu.vector_load %arg8[%swap3A_101, %swap3A_102] {strides = array<i32>} : memref<2x128xi32, #tpu.memory_space<vmem>>, vector<1x16xi32>,
    %swap3A_104 = vector.shape_cast %swap3A_103 : vector<1x16xi32> to vector<16xi32>
    %swap3A_105 = vector.shape_cast %select_n3A_99 : vector<16xi32> to vector<1x16xi32>
    tpu.vector_store %arg8[%swap3A_101, %swap3A_102], %swap3A_105 {strides = array<i32>} : memref<2x128xi32, #tpu.memory_space<vmem>>, vector<1x16xi32>,
    %get3A_106 = arith.constant 48 : index
    %get3A_107 = tpu.vector_load %arg9[%get3A_106] {strides = array<i32>} : memref<512xi32, #tpu.memory_space<vmem>>, vector<16xi32>,
    %get3A_108 = vector.shape_cast %get3A_107 : vector<16xi32> to vector<16xi32>
    %get3A_109 = arith.constant 48 : index
    %get3A_110 = tpu.vector_load %arg10[%get3A_109] {strides = array<i32>} : memref<512xi32, #tpu.memory_space<vmem>>, vector<16xi32>,
    %get3A_111 = vector.shape_cast %get3A_110 : vector<16xi32> to vector<16xi32>
    %mul3A_112 = arith.constant 288 : i32
    %mul3A_113 = vector.broadcast %mul3A_112 : i32 to vector<16xi32>
    %mul3A_114 = arith.muli %get3A_111, %mul3A_113 : vector<16xi32>
    %add3A_115 = arith.addi %mul3A_114, %get3A_108 : vector<16xi32>
    %add3A_116 = arith.constant 288 : i32
    %add3A_117 = vector.broadcast %add3A_116 : i32 to vector<16xi32>
    %add3A_118 = arith.addi %add3A_115, %add3A_117 : vector<16xi32>
    %shift_right_logical3A_119 = arith.constant 2 : i32
    %shift_right_logical3A_120 = vector.broadcast %shift_right_logical3A_119 : i32 to vector<16xi32>
    %shift_right_logical3A_121 = arith.shrui %add3A_118, %shift_right_logical3A_120 : vector<16xi32>
    %sub3A_122 = arith.constant 80 : i32
    %sub3A_123 = arith.subi %sub3A_122, %mul3A_6 : i32
    %add3A_124 = vector.broadcast %sub3A_123 : i32 to vector<16xi32>
    %add3A_125 = arith.addi %shift_right_logical3A_121, %add3A_124 : vector<16xi32>
    %ge3A_126 = arith.constant 0 : i32
    %ge3A_127 = vector.broadcast %ge3A_126 : i32 to vector<16xi32>
    %ge3A_128 = arith.cmpi sge, %add3A_125, %ge3A_127 : vector<16xi32>
    %lt3A_129 = arith.constant 9880 : i32
    %lt3A_130 = vector.broadcast %lt3A_129 : i32 to vector<16xi32>
    %lt3A_131 = arith.cmpi slt, %add3A_125, %lt3A_130 : vector<16xi32>
    %and3A_132 = arith.andi %ge3A_128, %lt3A_131 : vector<16xi1>
    %jit3A_133 = arith.constant 9880 : i32
    %broadcast_in_dim3A_134 = vector.broadcast %jit3A_133 : i32 to vector<16xi32>
    %select_n3A_135 = arith.select %and3A_132, %add3A_125, %broadcast_in_dim3A_134 : vector<16xi1>, vector<16xi32>
    %swap3A_136 = arith.constant 0 : i32
    %swap3A_137 = arith.index_cast %swap3A_136 : i32 to index
    %swap3A_138 = arith.constant 48 : index
    %swap3A_139 = tpu.vector_load %arg8[%swap3A_137, %swap3A_138] {strides = array<i32>} : memref<2x128xi32, #tpu.memory_space<vmem>>, vector<1x16xi32>,
    %swap3A_140 = vector.shape_cast %swap3A_139 : vector<1x16xi32> to vector<16xi32>
    %swap3A_141 = vector.shape_cast %select_n3A_135 : vector<16xi32> to vector<1x16xi32>
    tpu.vector_store %arg8[%swap3A_137, %swap3A_138], %swap3A_141 {strides = array<i32>} : memref<2x128xi32, #tpu.memory_space<vmem>>, vector<1x16xi32>,
    %get3A_142 = arith.constant 64 : index
    %get3A_143 = tpu.vector_load %arg9[%get3A_142] {strides = array<i32>} : memref<512xi32, #tpu.memory_space<vmem>>, vector<16xi32>,
    %get3A_144 = vector.shape_cast %get3A_143 : vector<16xi32> to vector<16xi32>
    %get3A_145 = arith.constant 64 : index
    %get3A_146 = tpu.vector_load %arg10[%get3A_145] {strides = array<i32>} : memref<512xi32, #tpu.memory_space<vmem>>, vector<16xi32>,
    %get3A_147 = vector.shape_cast %get3A_146 : vector<16xi32> to vector<16xi32>
    %mul3A_148 = arith.constant 288 : i32
    %mul3A_149 = vector.broadcast %mul3A_148 : i32 to vector<16xi32>
    %mul3A_150 = arith.muli %get3A_147, %mul3A_149 : vector<16xi32>
    %add3A_151 = arith.addi %mul3A_150, %get3A_144 : vector<16xi32>
    %add3A_152 = arith.constant 288 : i32
    %add3A_153 = vector.broadcast %add3A_152 : i32 to vector<16xi32>
    %add3A_154 = arith.addi %add3A_151, %add3A_153 : vector<16xi32>
    %shift_right_logical3A_155 = arith.constant 2 : i32
    %shift_right_logical3A_156 = vector.broadcast %shift_right_logical3A_155 : i32 to vector<16xi32>
    %shift_right_logical3A_157 = arith.shrui %add3A_154, %shift_right_logical3A_156 : vector<16xi32>
    %sub3A_158 = arith.constant 80 : i32
    %sub3A_159 = arith.subi %sub3A_158, %mul3A_6 : i32
    %add3A_160 = vector.broadcast %sub3A_159 : i32 to vector<16xi32>
    %add3A_161 = arith.addi %shift_right_logical3A_157, %add3A_160 : vector<16xi32>
    %ge3A_162 = arith.constant 0 : i32
    %ge3A_163 = vector.broadcast %ge3A_162 : i32 to vector<16xi32>
    %ge3A_164 = arith.cmpi sge, %add3A_161, %ge3A_163 : vector<16xi32>
    %lt3A_165 = arith.constant 9880 : i32
    %lt3A_166 = vector.broadcast %lt3A_165 : i32 to vector<16xi32>
    %lt3A_167 = arith.cmpi slt, %add3A_161, %lt3A_166 : vector<16xi32>
    %and3A_168 = arith.andi %ge3A_164, %lt3A_167 : vector<16xi1>
    %jit3A_169 = arith.constant 9880 : i32
    %broadcast_in_dim3A_170 = vector.broadcast %jit3A_169 : i32 to vector<16xi32>
    %select_n3A_171 = arith.select %and3A_168, %add3A_161, %broadcast_in_dim3A_170 : vector<16xi1>, vector<16xi32>
    %swap3A_172 = arith.constant 0 : i32
    %swap3A_173 = arith.index_cast %swap3A_172 : i32 to index
    %swap3A_174 = arith.constant 64 : index
    %swap3A_175 = tpu.vector_load %arg8[%swap3A_173, %swap3A_174] {strides = array<i32>} : memref<2x128xi32, #tpu.memory_space<vmem>>, vector<1x16xi32>,
    %swap3A_176 = vector.shape_cast %swap3A_175 : vector<1x16xi32> to vector<16xi32>
    %swap3A_177 = vector.shape_cast %select_n3A_171 : vector<16xi32> to vector<1x16xi32>
    tpu.vector_store %arg8[%swap3A_173, %swap3A_174], %swap3A_177 {strides = array<i32>} : memref<2x128xi32, #tpu.memory_space<vmem>>, vector<1x16xi32>,
    %get3A_178 = arith.constant 80 : index
    %get3A_179 = tpu.vector_load %arg9[%get3A_178] {strides = array<i32>} : memref<512xi32, #tpu.memory_space<vmem>>, vector<16xi32>,
    %get3A_180 = vector.shape_cast %get3A_179 : vector<16xi32> to vector<16xi32>
    %get3A_181 = arith.constant 80 : index
    %get3A_182 = tpu.vector_load %arg10[%get3A_181] {strides = array<i32>} : memref<512xi32, #tpu.memory_space<vmem>>, vector<16xi32>,
    %get3A_183 = vector.shape_cast %get3A_182 : vector<16xi32> to vector<16xi32>
    %mul3A_184 = arith.constant 288 : i32
    %mul3A_185 = vector.broadcast %mul3A_184 : i32 to vector<16xi32>
    %mul3A_186 = arith.muli %get3A_183, %mul3A_185 : vector<16xi32>
    %add3A_187 = arith.addi %mul3A_186, %get3A_180 : vector<16xi32>
    %add3A_188 = arith.constant 288 : i32
    %add3A_189 = vector.broadcast %add3A_188 : i32 to vector<16xi32>
    %add3A_190 = arith.addi %add3A_187, %add3A_189 : vector<16xi32>
    %shift_right_logical3A_191 = arith.constant 2 : i32
    %shift_right_logical3A_192 = vector.broadcast %shift_right_logical3A_191 : i32 to vector<16xi32>
    %shift_right_logical3A_193 = arith.shrui %add3A_190, %shift_right_logical3A_192 : vector<16xi32>
    %sub3A_194 = arith.constant 80 : i32
    %sub3A_195 = arith.subi %sub3A_194, %mul3A_6 : i32
    %add3A_196 = vector.broadcast %sub3A_195 : i32 to vector<16xi32>
    %add3A_197 = arith.addi %shift_right_logical3A_193, %add3A_196 : vector<16xi32>
    %ge3A_198 = arith.constant 0 : i32
    %ge3A_199 = vector.broadcast %ge3A_198 : i32 to vector<16xi32>
    %ge3A_200 = arith.cmpi sge, %add3A_197, %ge3A_199 : vector<16xi32>
    %lt3A_201 = arith.constant 9880 : i32
    %lt3A_202 = vector.broadcast %lt3A_201 : i32 to vector<16xi32>
    %lt3A_203 = arith.cmpi slt, %add3A_197, %lt3A_202 : vector<16xi32>
    %and3A_204 = arith.andi %ge3A_200, %lt3A_203 : vector<16xi1>
    %jit3A_205 = arith.constant 9880 : i32
    %broadcast_in_dim3A_206 = vector.broadcast %jit3A_205 : i32 to vector<16xi32>
    %select_n3A_207 = arith.select %and3A_204, %add3A_197, %broadcast_in_dim3A_206 : vector<16xi1>, vector<16xi32>
    %swap3A_208 = arith.constant 0 : i32
    %swap3A_209 = arith.index_cast %swap3A_208 : i32 to index
    %swap3A_210 = arith.constant 80 : index
    %swap3A_211 = tpu.vector_load %arg8[%swap3A_209, %swap3A_210] {strides = array<i32>} : memref<2x128xi32, #tpu.memory_space<vmem>>, vector<1x16xi32>,
    %swap3A_212 = vector.shape_cast %swap3A_211 : vector<1x16xi32> to vector<16xi32>
    %swap3A_213 = vector.shape_cast %select_n3A_207 : vector<16xi32> to vector<1x16xi32>
    tpu.vector_store %arg8[%swap3A_209, %swap3A_210], %swap3A_213 {strides = array<i32>} : memref<2x128xi32, #tpu.memory_space<vmem>>, vector<1x16xi32>,
    %get3A_214 = arith.constant 96 : index
    %get3A_215 = tpu.vector_load %arg9[%get3A_214] {strides = array<i32>} : memref<512xi32, #tpu.memory_space<vmem>>, vector<16xi32>,
    %get3A_216 = vector.shape_cast %get3A_215 : vector<16xi32> to vector<16xi32>
    %get3A_217 = arith.constant 96 : index
    %get3A_218 = tpu.vector_load %arg10[%get3A_217] {strides = array<i32>} : memref<512xi32, #tpu.memory_space<vmem>>, vector<16xi32>,
    %get3A_219 = vector.shape_cast %get3A_218 : vector<16xi32> to vector<16xi32>
    %mul3A_220 = arith.constant 288 : i32
    %mul3A_221 = vector.broadcast %mul3A_220 : i32 to vector<16xi32>
    %mul3A_222 = arith.muli %get3A_219, %mul3A_221 : vector<16xi32>
    %add3A_223 = arith.addi %mul3A_222, %get3A_216 : vector<16xi32>
    %add3A_224 = arith.constant 288 : i32
    %add3A_225 = vector.broadcast %add3A_224 : i32 to vector<16xi32>
    %add3A_226 = arith.addi %add3A_223, %add3A_225 : vector<16xi32>
    %shift_right_logical3A_227 = arith.constant 2 : i32
    %shift_right_logical3A_228 = vector.broadcast %shift_right_logical3A_227 : i32 to vector<16xi32>
    %shift_right_logical3A_229 = arith.shrui %add3A_226, %shift_right_logical3A_228 : vector<16xi32>
    %sub3A_230 = arith.constant 80 : i32
    %sub3A_231 = arith.subi %sub3A_230, %mul3A_6 : i32
    %add3A_232 = vector.broadcast %sub3A_231 : i32 to vector<16xi32>
    %add3A_233 = arith.addi %shift_right_logical3A_229, %add3A_232 : vector<16xi32>
    %ge3A_234 = arith.constant 0 : i32
    %ge3A_235 = vector.broadcast %ge3A_234 : i32 to vector<16xi32>
    %ge3A_236 = arith.cmpi sge, %add3A_233, %ge3A_235 : vector<16xi32>
    %lt3A_237 = arith.constant 9880 : i32
    %lt3A_238 = vector.broadcast %lt3A_237 : i32 to vector<16xi32>
    %lt3A_239 = arith.cmpi slt, %add3A_233, %lt3A_238 : vector<16xi32>
    %and3A_240 = arith.andi %ge3A_236, %lt3A_239 : vector<16xi1>
    %jit3A_241 = arith.constant 9880 : i32
    %broadcast_in_dim3A_242 = vector.broadcast %jit3A_241 : i32 to vector<16xi32>
    %select_n3A_243 = arith.select %and3A_240, %add3A_233, %broadcast_in_dim3A_242 : vector<16xi1>, vector<16xi32>
    %swap3A_244 = arith.constant 0 : i32
    %swap3A_245 = arith.index_cast %swap3A_244 : i32 to index
    %swap3A_246 = arith.constant 96 : index
    %swap3A_247 = tpu.vector_load %arg8[%swap3A_245, %swap3A_246] {strides = array<i32>} : memref<2x128xi32, #tpu.memory_space<vmem>>, vector<1x16xi32>,
    %swap3A_248 = vector.shape_cast %swap3A_247 : vector<1x16xi32> to vector<16xi32>
    %swap3A_249 = vector.shape_cast %select_n3A_243 : vector<16xi32> to vector<1x16xi32>
    tpu.vector_store %arg8[%swap3A_245, %swap3A_246], %swap3A_249 {strides = array<i32>} : memref<2x128xi32, #tpu.memory_space<vmem>>, vector<1x16xi32>,
    %get3A_250 = arith.constant 112 : index
    %get3A_251 = tpu.vector_load %arg9[%get3A_250] {strides = array<i32>} : memref<512xi32, #tpu.memory_space<vmem>>, vector<16xi32>,
    %get3A_252 = vector.shape_cast %get3A_251 : vector<16xi32> to vector<16xi32>
    %get3A_253 = arith.constant 112 : index
    %get3A_254 = tpu.vector_load %arg10[%get3A_253] {strides = array<i32>} : memref<512xi32, #tpu.memory_space<vmem>>, vector<16xi32>,
    %get3A_255 = vector.shape_cast %get3A_254 : vector<16xi32> to vector<16xi32>
    %mul3A_256 = arith.constant 288 : i32
    %mul3A_257 = vector.broadcast %mul3A_256 : i32 to vector<16xi32>
    %mul3A_258 = arith.muli %get3A_255, %mul3A_257 : vector<16xi32>
    %add3A_259 = arith.addi %mul3A_258, %get3A_252 : vector<16xi32>
    %add3A_260 = arith.constant 288 : i32
    %add3A_261 = vector.broadcast %add3A_260 : i32 to vector<16xi32>
    %add3A_262 = arith.addi %add3A_259, %add3A_261 : vector<16xi32>
    %shift_right_logical3A_263 = arith.constant 2 : i32
    %shift_right_logical3A_264 = vector.broadcast %shift_right_logical3A_263 : i32 to vector<16xi32>
    %shift_right_logical3A_265 = arith.shrui %add3A_262, %shift_right_logical3A_264 : vector<16xi32>
    %sub3A_266 = arith.constant 80 : i32
    %sub3A_267 = arith.subi %sub3A_266, %mul3A_6 : i32
    %add3A_268 = vector.broadcast %sub3A_267 : i32 to vector<16xi32>
    %add3A_269 = arith.addi %shift_right_logical3A_265, %add3A_268 : vector<16xi32>
    %ge3A_270 = arith.constant 0 : i32
    %ge3A_271 = vector.broadcast %ge3A_270 : i32 to vector<16xi32>
    %ge3A_272 = arith.cmpi sge, %add3A_269, %ge3A_271 : vector<16xi32>
    %lt3A_273 = arith.constant 9880 : i32
    %lt3A_274 = vector.broadcast %lt3A_273 : i32 to vector<16xi32>
    %lt3A_275 = arith.cmpi slt, %add3A_269, %lt3A_274 : vector<16xi32>
    %and3A_276 = arith.andi %ge3A_272, %lt3A_275 : vector<16xi1>
    %jit3A_277 = arith.constant 9880 : i32
    %broadcast_in_dim3A_278 = vector.broadcast %jit3A_277 : i32 to vector<16xi32>
    %select_n3A_279 = arith.select %and3A_276, %add3A_269, %broadcast_in_dim3A_278 : vector<16xi1>, vector<16xi32>
    %swap3A_280 = arith.constant 0 : i32
    %swap3A_281 = arith.index_cast %swap3A_280 : i32 to index
    %swap3A_282 = arith.constant 112 : index
    %swap3A_283 = tpu.vector_load %arg8[%swap3A_281, %swap3A_282] {strides = array<i32>} : memref<2x128xi32, #tpu.memory_space<vmem>>, vector<1x16xi32>,
    %swap3A_284 = vector.shape_cast %swap3A_283 : vector<1x16xi32> to vector<16xi32>
    %swap3A_285 = vector.shape_cast %select_n3A_279 : vector<16xi32> to vector<1x16xi32>
    tpu.vector_store %arg8[%swap3A_281, %swap3A_282], %swap3A_285 {strides = array<i32>} : memref<2x128xi32, #tpu.memory_space<vmem>>, vector<1x16xi32>,
    %get3A_286 = arith.constant 128 : index
    %get3A_287 = tpu.vector_load %arg9[%get3A_286] {strides = array<i32>} : memref<512xi32, #tpu.memory_space<vmem>>, vector<16xi32>,
    %get3A_288 = vector.shape_cast %get3A_287 : vector<16xi32> to vector<16xi32>
    %get3A_289 = arith.constant 128 : index
    %get3A_290 = tpu.vector_load %arg10[%get3A_289] {strides = array<i32>} : memref<512xi32, #tpu.memory_space<vmem>>, vector<16xi32>,
    %get3A_291 = vector.shape_cast %get3A_290 : vector<16xi32> to vector<16xi32>
    %mul3A_292 = arith.constant 288 : i32
    %mul3A_293 = vector.broadcast %mul3A_292 : i32 to vector<16xi32>
    %mul3A_294 = arith.muli %get3A_291, %mul3A_293 : vector<16xi32>
    %add3A_295 = arith.addi %mul3A_294, %get3A_288 : vector<16xi32>
    %add3A_296 = arith.constant 288 : i32
    %add3A_297 = vector.broadcast %add3A_296 : i32 to vector<16xi32>
    %add3A_298 = arith.addi %add3A_295, %add3A_297 : vector<16xi32>
    %shift_right_logical3A_299 = arith.constant 2 : i32
    %shift_right_logical3A_300 = vector.broadcast %shift_right_logical3A_299 : i32 to vector<16xi32>
    %shift_right_logical3A_301 = arith.shrui %add3A_298, %shift_right_logical3A_300 : vector<16xi32>
    %sub3A_302 = arith.constant 80 : i32
    %sub3A_303 = arith.subi %sub3A_302, %mul3A_6 : i32
    %add3A_304 = vector.broadcast %sub3A_303 : i32 to vector<16xi32>
    %add3A_305 = arith.addi %shift_right_logical3A_301, %add3A_304 : vector<16xi32>
    %ge3A_306 = arith.constant 0 : i32
    %ge3A_307 = vector.broadcast %ge3A_306 : i32 to vector<16xi32>
    %ge3A_308 = arith.cmpi sge, %add3A_305, %ge3A_307 : vector<16xi32>
    %lt3A_309 = arith.constant 9880 : i32
    %lt3A_310 = vector.broadcast %lt3A_309 : i32 to vector<16xi32>
    %lt3A_311 = arith.cmpi slt, %add3A_305, %lt3A_310 : vector<16xi32>
    %and3A_312 = arith.andi %ge3A_308, %lt3A_311 : vector<16xi1>
    %jit3A_313 = arith.constant 9880 : i32
    %broadcast_in_dim3A_314 = vector.broadcast %jit3A_313 : i32 to vector<16xi32>
    %select_n3A_315 = arith.select %and3A_312, %add3A_305, %broadcast_in_dim3A_314 : vector<16xi1>, vector<16xi32>
    %swap3A_316 = arith.constant 1 : i32
    %swap3A_317 = arith.index_cast %swap3A_316 : i32 to index
    %swap3A_318 = arith.constant 0 : index
    %swap3A_319 = tpu.vector_load %arg8[%swap3A_317, %swap3A_318] {strides = array<i32>} : memref<2x128xi32, #tpu.memory_space<vmem>>, vector<1x16xi32>,
    %swap3A_320 = vector.shape_cast %swap3A_319 : vector<1x16xi32> to vector<16xi32>
    %swap3A_321 = vector.shape_cast %select_n3A_315 : vector<16xi32> to vector<1x16xi32>
    tpu.vector_store %arg8[%swap3A_317, %swap3A_318], %swap3A_321 {strides = array<i32>} : memref<2x128xi32, #tpu.memory_space<vmem>>, vector<1x16xi32>,
    %get3A_322 = arith.constant 144 : index
    %get3A_323 = tpu.vector_load %arg9[%get3A_322] {strides = array<i32>} : memref<512xi32, #tpu.memory_space<vmem>>, vector<16xi32>,
    %get3A_324 = vector.shape_cast %get3A_323 : vector<16xi32> to vector<16xi32>
    %get3A_325 = arith.constant 144 : index
    %get3A_326 = tpu.vector_load %arg10[%get3A_325] {strides = array<i32>} : memref<512xi32, #tpu.memory_space<vmem>>, vector<16xi32>,
    %get3A_327 = vector.shape_cast %get3A_326 : vector<16xi32> to vector<16xi32>
    %mul3A_328 = arith.constant 288 : i32
    %mul3A_329 = vector.broadcast %mul3A_328 : i32 to vector<16xi32>
    %mul3A_330 = arith.muli %get3A_327, %mul3A_329 : vector<16xi32>
    %add3A_331 = arith.addi %mul3A_330, %get3A_324 : vector<16xi32>
    %add3A_332 = arith.constant 288 : i32
    %add3A_333 = vector.broadcast %add3A_332 : i32 to vector<16xi32>
    %add3A_334 = arith.addi %add3A_331, %add3A_333 : vector<16xi32>
    %shift_right_logical3A_335 = arith.constant 2 : i32
    %shift_right_logical3A_336 = vector.broadcast %shift_right_logical3A_335 : i32 to vector<16xi32>
    %shift_right_logical3A_337 = arith.shrui %add3A_334, %shift_right_logical3A_336 : vector<16xi32>
    %sub3A_338 = arith.constant 80 : i32
    %sub3A_339 = arith.subi %sub3A_338, %mul3A_6 : i32
    %add3A_340 = vector.broadcast %sub3A_339 : i32 to vector<16xi32>
    %add3A_341 = arith.addi %shift_right_logical3A_337, %add3A_340 : vector<16xi32>
    %ge3A_342 = arith.constant 0 : i32
    %ge3A_343 = vector.broadcast %ge3A_342 : i32 to vector<16xi32>
    %ge3A_344 = arith.cmpi sge, %add3A_341, %ge3A_343 : vector<16xi32>
    %lt3A_345 = arith.constant 9880 : i32
    %lt3A_346 = vector.broadcast %lt3A_345 : i32 to vector<16xi32>
    %lt3A_347 = arith.cmpi slt, %add3A_341, %lt3A_346 : vector<16xi32>
    %and3A_348 = arith.andi %ge3A_344, %lt3A_347 : vector<16xi1>
    %jit3A_349 = arith.constant 9880 : i32
    %broadcast_in_dim3A_350 = vector.broadcast %jit3A_349 : i32 to vector<16xi32>
    %select_n3A_351 = arith.select %and3A_348, %add3A_341, %broadcast_in_dim3A_350 : vector<16xi1>, vector<16xi32>
    %swap3A_352 = arith.constant 1 : i32
    %swap3A_353 = arith.index_cast %swap3A_352 : i32 to index
    %swap3A_354 = arith.constant 16 : index
    %swap3A_355 = tpu.vector_load %arg8[%swap3A_353, %swap3A_354] {strides = array<i32>} : memref<2x128xi32, #tpu.memory_space<vmem>>, vector<1x16xi32>,
    %swap3A_356 = vector.shape_cast %swap3A_355 : vector<1x16xi32> to vector<16xi32>
    %swap3A_357 = vector.shape_cast %select_n3A_351 : vector<16xi32> to vector<1x16xi32>
    tpu.vector_store %arg8[%swap3A_353, %swap3A_354], %swap3A_357 {strides = array<i32>} : memref<2x128xi32, #tpu.memory_space<vmem>>, vector<1x16xi32>,
    %get3A_358 = arith.constant 160 : index
    %get3A_359 = tpu.vector_load %arg9[%get3A_358] {strides = array<i32>} : memref<512xi32, #tpu.memory_space<vmem>>, vector<16xi32>,
    %get3A_360 = vector.shape_cast %get3A_359 : vector<16xi32> to vector<16xi32>
    %get3A_361 = arith.constant 160 : index
    %get3A_362 = tpu.vector_load %arg10[%get3A_361] {strides = array<i32>} : memref<512xi32, #tpu.memory_space<vmem>>, vector<16xi32>,
    %get3A_363 = vector.shape_cast %get3A_362 : vector<16xi32> to vector<16xi32>
    %mul3A_364 = arith.constant 288 : i32
    %mul3A_365 = vector.broadcast %mul3A_364 : i32 to vector<16xi32>
    %mul3A_366 = arith.muli %get3A_363, %mul3A_365 : vector<16xi32>
    %add3A_367 = arith.addi %mul3A_366, %get3A_360 : vector<16xi32>
    %add3A_368 = arith.constant 288 : i32
    %add3A_369 = vector.broadcast %add3A_368 : i32 to vector<16xi32>
    %add3A_370 = arith.addi %add3A_367, %add3A_369 : vector<16xi32>
    %shift_right_logical3A_371 = arith.constant 2 : i32
    %shift_right_logical3A_372 = vector.broadcast %shift_right_logical3A_371 : i32 to vector<16xi32>
    %shift_right_logical3A_373 = arith.shrui %add3A_370, %shift_right_logical3A_372 : vector<16xi32>
    %sub3A_374 = arith.constant 80 : i32
    %sub3A_375 = arith.subi %sub3A_374, %mul3A_6 : i32
    %add3A_376 = vector.broadcast %sub3A_375 : i32 to vector<16xi32>
    %add3A_377 = arith.addi %shift_right_logical3A_373, %add3A_376 : vector<16xi32>
    %ge3A_378 = arith.constant 0 : i32
    %ge3A_379 = vector.broadcast %ge3A_378 : i32 to vector<16xi32>
    %ge3A_380 = arith.cmpi sge, %add3A_377, %ge3A_379 : vector<16xi32>
    %lt3A_381 = arith.constant 9880 : i32
    %lt3A_382 = vector.broadcast %lt3A_381 : i32 to vector<16xi32>
    %lt3A_383 = arith.cmpi slt, %add3A_377, %lt3A_382 : vector<16xi32>
    %and3A_384 = arith.andi %ge3A_380, %lt3A_383 : vector<16xi1>
    %jit3A_385 = arith.constant 9880 : i32
    %broadcast_in_dim3A_386 = vector.broadcast %jit3A_385 : i32 to vector<16xi32>
    %select_n3A_387 = arith.select %and3A_384, %add3A_377, %broadcast_in_dim3A_386 : vector<16xi1>, vector<16xi32>
    %swap3A_388 = arith.constant 1 : i32
    %swap3A_389 = arith.index_cast %swap3A_388 : i32 to index
    %swap3A_390 = arith.constant 32 : index
    %swap3A_391 = tpu.vector_load %arg8[%swap3A_389, %swap3A_390] {strides = array<i32>} : memref<2x128xi32, #tpu.memory_space<vmem>>, vector<1x16xi32>,
    %swap3A_392 = vector.shape_cast %swap3A_391 : vector<1x16xi32> to vector<16xi32>
    %swap3A_393 = vector.shape_cast %select_n3A_387 : vector<16xi32> to vector<1x16xi32>
    tpu.vector_store %arg8[%swap3A_389, %swap3A_390], %swap3A_393 {strides = array<i32>} : memref<2x128xi32, #tpu.memory_space<vmem>>, vector<1x16xi32>,
    %get3A_394 = arith.constant 176 : index
    %get3A_395 = tpu.vector_load %arg9[%get3A_394] {strides = array<i32>} : memref<512xi32, #tpu.memory_space<vmem>>, vector<16xi32>,
    %get3A_396 = vector.shape_cast %get3A_395 : vector<16xi32> to vector<16xi32>
    %get3A_397 = arith.constant 176 : index
    %get3A_398 = tpu.vector_load %arg10[%get3A_397] {strides = array<i32>} : memref<512xi32, #tpu.memory_space<vmem>>, vector<16xi32>,
    %get3A_399 = vector.shape_cast %get3A_398 : vector<16xi32> to vector<16xi32>
    %mul3A_400 = arith.constant 288 : i32
    %mul3A_401 = vector.broadcast %mul3A_400 : i32 to vector<16xi32>
    %mul3A_402 = arith.muli %get3A_399, %mul3A_401 : vector<16xi32>
    %add3A_403 = arith.addi %mul3A_402, %get3A_396 : vector<16xi32>
    %add3A_404 = arith.constant 288 : i32
    %add3A_405 = vector.broadcast %add3A_404 : i32 to vector<16xi32>
    %add3A_406 = arith.addi %add3A_403, %add3A_405 : vector<16xi32>
    %shift_right_logical3A_407 = arith.constant 2 : i32
    %shift_right_logical3A_408 = vector.broadcast %shift_right_logical3A_407 : i32 to vector<16xi32>
    %shift_right_logical3A_409 = arith.shrui %add3A_406, %shift_right_logical3A_408 : vector<16xi32>
    %sub3A_410 = arith.constant 80 : i32
    %sub3A_411 = arith.subi %sub3A_410, %mul3A_6 : i32
    %add3A_412 = vector.broadcast %sub3A_411 : i32 to vector<16xi32>
    %add3A_413 = arith.addi %shift_right_logical3A_409, %add3A_412 : vector<16xi32>
    %ge3A_414 = arith.constant 0 : i32
    %ge3A_415 = vector.broadcast %ge3A_414 : i32 to vector<16xi32>
    %ge3A_416 = arith.cmpi sge, %add3A_413, %ge3A_415 : vector<16xi32>
    %lt3A_417 = arith.constant 9880 : i32
    %lt3A_418 = vector.broadcast %lt3A_417 : i32 to vector<16xi32>
    %lt3A_419 = arith.cmpi slt, %add3A_413, %lt3A_418 : vector<16xi32>
    %and3A_420 = arith.andi %ge3A_416, %lt3A_419 : vector<16xi1>
    %jit3A_421 = arith.constant 9880 : i32
    %broadcast_in_dim3A_422 = vector.broadcast %jit3A_421 : i32 to vector<16xi32>
    %select_n3A_423 = arith.select %and3A_420, %add3A_413, %broadcast_in_dim3A_422 : vector<16xi1>, vector<16xi32>
    %swap3A_424 = arith.constant 1 : i32
    %swap3A_425 = arith.index_cast %swap3A_424 : i32 to index
    %swap3A_426 = arith.constant 48 : index
    %swap3A_427 = tpu.vector_load %arg8[%swap3A_425, %swap3A_426] {strides = array<i32>} : memref<2x128xi32, #tpu.memory_space<vmem>>, vector<1x16xi32>,
    %swap3A_428 = vector.shape_cast %swap3A_427 : vector<1x16xi32> to vector<16xi32>
    %swap3A_429 = vector.shape_cast %select_n3A_423 : vector<16xi32> to vector<1x16xi32>
    tpu.vector_store %arg8[%swap3A_425, %swap3A_426], %swap3A_429 {strides = array<i32>} : memref<2x128xi32, #tpu.memory_space<vmem>>, vector<1x16xi32>,
    %get3A_430 = arith.constant 192 : index
    %get3A_431 = tpu.vector_load %arg9[%get3A_430] {strides = array<i32>} : memref<512xi32, #tpu.memory_space<vmem>>, vector<16xi32>,
    %get3A_432 = vector.shape_cast %get3A_431 : vector<16xi32> to vector<16xi32>
    %get3A_433 = arith.constant 192 : index
    %get3A_434 = tpu.vector_load %arg10[%get3A_433] {strides = array<i32>} : memref<512xi32, #tpu.memory_space<vmem>>, vector<16xi32>,
    %get3A_435 = vector.shape_cast %get3A_434 : vector<16xi32> to vector<16xi32>
    %mul3A_436 = arith.constant 288 : i32
    %mul3A_437 = vector.broadcast %mul3A_436 : i32 to vector<16xi32>
    %mul3A_438 = arith.muli %get3A_435, %mul3A_437 : vector<16xi32>
    %add3A_439 = arith.addi %mul3A_438, %get3A_432 : vector<16xi32>
    %add3A_440 = arith.constant 288 : i32
    %add3A_441 = vector.broadcast %add3A_440 : i32 to vector<16xi32>
    %add3A_442 = arith.addi %add3A_439, %add3A_441 : vector<16xi32>
    %shift_right_logical3A_443 = arith.constant 2 : i32
    %shift_right_logical3A_444 = vector.broadcast %shift_right_logical3A_443 : i32 to vector<16xi32>
    %shift_right_logical3A_445 = arith.shrui %add3A_442, %shift_right_logical3A_444 : vector<16xi32>
    %sub3A_446 = arith.constant 80 : i32
    %sub3A_447 = arith.subi %sub3A_446, %mul3A_6 : i32
    %add3A_448 = vector.broadcast %sub3A_447 : i32 to vector<16xi32>
    %add3A_449 = arith.addi %shift_right_logical3A_445, %add3A_448 : vector<16xi32>
    %ge3A_450 = arith.constant 0 : i32
    %ge3A_451 = vector.broadcast %ge3A_450 : i32 to vector<16xi32>
    %ge3A_452 = arith.cmpi sge, %add3A_449, %ge3A_451 : vector<16xi32>
    %lt3A_453 = arith.constant 9880 : i32
    %lt3A_454 = vector.broadcast %lt3A_453 : i32 to vector<16xi32>
    %lt3A_455 = arith.cmpi slt, %add3A_449, %lt3A_454 : vector<16xi32>
    %and3A_456 = arith.andi %ge3A_452, %lt3A_455 : vector<16xi1>
    %jit3A_457 = arith.constant 9880 : i32
    %broadcast_in_dim3A_458 = vector.broadcast %jit3A_457 : i32 to vector<16xi32>
    %select_n3A_459 = arith.select %and3A_456, %add3A_449, %broadcast_in_dim3A_458 : vector<16xi1>, vector<16xi32>
    %swap3A_460 = arith.constant 1 : i32
    %swap3A_461 = arith.index_cast %swap3A_460 : i32 to index
    %swap3A_462 = arith.constant 64 : index
    %swap3A_463 = tpu.vector_load %arg8[%swap3A_461, %swap3A_462] {strides = array<i32>} : memref<2x128xi32, #tpu.memory_space<vmem>>, vector<1x16xi32>,
    %swap3A_464 = vector.shape_cast %swap3A_463 : vector<1x16xi32> to vector<16xi32>
    %swap3A_465 = vector.shape_cast %select_n3A_459 : vector<16xi32> to vector<1x16xi32>
    tpu.vector_store %arg8[%swap3A_461, %swap3A_462], %swap3A_465 {strides = array<i32>} : memref<2x128xi32, #tpu.memory_space<vmem>>, vector<1x16xi32>,
    %get3A_466 = arith.constant 208 : index
    %get3A_467 = tpu.vector_load %arg9[%get3A_466] {strides = array<i32>} : memref<512xi32, #tpu.memory_space<vmem>>, vector<16xi32>,
    %get3A_468 = vector.shape_cast %get3A_467 : vector<16xi32> to vector<16xi32>
    %get3A_469 = arith.constant 208 : index
    %get3A_470 = tpu.vector_load %arg10[%get3A_469] {strides = array<i32>} : memref<512xi32, #tpu.memory_space<vmem>>, vector<16xi32>,
    %get3A_471 = vector.shape_cast %get3A_470 : vector<16xi32> to vector<16xi32>
    %mul3A_472 = arith.constant 288 : i32
    %mul3A_473 = vector.broadcast %mul3A_472 : i32 to vector<16xi32>
    %mul3A_474 = arith.muli %get3A_471, %mul3A_473 : vector<16xi32>
    %add3A_475 = arith.addi %mul3A_474, %get3A_468 : vector<16xi32>
    %add3A_476 = arith.constant 288 : i32
    %add3A_477 = vector.broadcast %add3A_476 : i32 to vector<16xi32>
    %add3A_478 = arith.addi %add3A_475, %add3A_477 : vector<16xi32>
    %shift_right_logical3A_479 = arith.constant 2 : i32
    %shift_right_logical3A_480 = vector.broadcast %shift_right_logical3A_479 : i32 to vector<16xi32>
    %shift_right_logical3A_481 = arith.shrui %add3A_478, %shift_right_logical3A_480 : vector<16xi32>
    %sub3A_482 = arith.constant 80 : i32
    %sub3A_483 = arith.subi %sub3A_482, %mul3A_6 : i32
    %add3A_484 = vector.broadcast %sub3A_483 : i32 to vector<16xi32>
    %add3A_485 = arith.addi %shift_right_logical3A_481, %add3A_484 : vector<16xi32>
    %ge3A_486 = arith.constant 0 : i32
    %ge3A_487 = vector.broadcast %ge3A_486 : i32 to vector<16xi32>
    %ge3A_488 = arith.cmpi sge, %add3A_485, %ge3A_487 : vector<16xi32>
    %lt3A_489 = arith.constant 9880 : i32
    %lt3A_490 = vector.broadcast %lt3A_489 : i32 to vector<16xi32>
    %lt3A_491 = arith.cmpi slt, %add3A_485, %lt3A_490 : vector<16xi32>
    %and3A_492 = arith.andi %ge3A_488, %lt3A_491 : vector<16xi1>
    %jit3A_493 = arith.constant 9880 : i32
    %broadcast_in_dim3A_494 = vector.broadcast %jit3A_493 : i32 to vector<16xi32>
    %select_n3A_495 = arith.select %and3A_492, %add3A_485, %broadcast_in_dim3A_494 : vector<16xi1>, vector<16xi32>
    %swap3A_496 = arith.constant 1 : i32
    %swap3A_497 = arith.index_cast %swap3A_496 : i32 to index
    %swap3A_498 = arith.constant 80 : index
    %swap3A_499 = tpu.vector_load %arg8[%swap3A_497, %swap3A_498] {strides = array<i32>} : memref<2x128xi32, #tpu.memory_space<vmem>>, vector<1x16xi32>,
    %swap3A_500 = vector.shape_cast %swap3A_499 : vector<1x16xi32> to vector<16xi32>
    %swap3A_501 = vector.shape_cast %select_n3A_495 : vector<16xi32> to vector<1x16xi32>
    tpu.vector_store %arg8[%swap3A_497, %swap3A_498], %swap3A_501 {strides = array<i32>} : memref<2x128xi32, #tpu.memory_space<vmem>>, vector<1x16xi32>,
    %get3A_502 = arith.constant 224 : index
    %get3A_503 = tpu.vector_load %arg9[%get3A_502] {strides = array<i32>} : memref<512xi32, #tpu.memory_space<vmem>>, vector<16xi32>,
    %get3A_504 = vector.shape_cast %get3A_503 : vector<16xi32> to vector<16xi32>
    %get3A_505 = arith.constant 224 : index
    %get3A_506 = tpu.vector_load %arg10[%get3A_505] {strides = array<i32>} : memref<512xi32, #tpu.memory_space<vmem>>, vector<16xi32>,
    %get3A_507 = vector.shape_cast %get3A_506 : vector<16xi32> to vector<16xi32>
    %mul3A_508 = arith.constant 288 : i32
    %mul3A_509 = vector.broadcast %mul3A_508 : i32 to vector<16xi32>
    %mul3A_510 = arith.muli %get3A_507, %mul3A_509 : vector<16xi32>
    %add3A_511 = arith.addi %mul3A_510, %get3A_504 : vector<16xi32>
    %add3A_512 = arith.constant 288 : i32
    %add3A_513 = vector.broadcast %add3A_512 : i32 to vector<16xi32>
    %add3A_514 = arith.addi %add3A_511, %add3A_513 : vector<16xi32>
    %shift_right_logical3A_515 = arith.constant 2 : i32
    %shift_right_logical3A_516 = vector.broadcast %shift_right_logical3A_515 : i32 to vector<16xi32>
    %shift_right_logical3A_517 = arith.shrui %add3A_514, %shift_right_logical3A_516 : vector<16xi32>
    %sub3A_518 = arith.constant 80 : i32
    %sub3A_519 = arith.subi %sub3A_518, %mul3A_6 : i32
    %add3A_520 = vector.broadcast %sub3A_519 : i32 to vector<16xi32>
    %add3A_521 = arith.addi %shift_right_logical3A_517, %add3A_520 : vector<16xi32>
    %ge3A_522 = arith.constant 0 : i32
    %ge3A_523 = vector.broadcast %ge3A_522 : i32 to vector<16xi32>
    %ge3A_524 = arith.cmpi sge, %add3A_521, %ge3A_523 : vector<16xi32>
    %lt3A_525 = arith.constant 9880 : i32
    %lt3A_526 = vector.broadcast %lt3A_525 : i32 to vector<16xi32>
    %lt3A_527 = arith.cmpi slt, %add3A_521, %lt3A_526 : vector<16xi32>
    %and3A_528 = arith.andi %ge3A_524, %lt3A_527 : vector<16xi1>
    %jit3A_529 = arith.constant 9880 : i32
    %broadcast_in_dim3A_530 = vector.broadcast %jit3A_529 : i32 to vector<16xi32>
    %select_n3A_531 = arith.select %and3A_528, %add3A_521, %broadcast_in_dim3A_530 : vector<16xi1>, vector<16xi32>
    %swap3A_532 = arith.constant 1 : i32
    %swap3A_533 = arith.index_cast %swap3A_532 : i32 to index
    %swap3A_534 = arith.constant 96 : index
    %swap3A_535 = tpu.vector_load %arg8[%swap3A_533, %swap3A_534] {strides = array<i32>} : memref<2x128xi32, #tpu.memory_space<vmem>>, vector<1x16xi32>,
    %swap3A_536 = vector.shape_cast %swap3A_535 : vector<1x16xi32> to vector<16xi32>
    %swap3A_537 = vector.shape_cast %select_n3A_531 : vector<16xi32> to vector<1x16xi32>
    tpu.vector_store %arg8[%swap3A_533, %swap3A_534], %swap3A_537 {strides = array<i32>} : memref<2x128xi32, #tpu.memory_space<vmem>>, vector<1x16xi32>,
    %get3A_538 = arith.constant 240 : index
    %get3A_539 = tpu.vector_load %arg9[%get3A_538] {strides = array<i32>} : memref<512xi32, #tpu.memory_space<vmem>>, vector<16xi32>,
    %get3A_540 = vector.shape_cast %get3A_539 : vector<16xi32> to vector<16xi32>
    %get3A_541 = arith.constant 240 : index
    %get3A_542 = tpu.vector_load %arg10[%get3A_541] {strides = array<i32>} : memref<512xi32, #tpu.memory_space<vmem>>, vector<16xi32>,
    %get3A_543 = vector.shape_cast %get3A_542 : vector<16xi32> to vector<16xi32>
    %mul3A_544 = arith.constant 288 : i32
    %mul3A_545 = vector.broadcast %mul3A_544 : i32 to vector<16xi32>
    %mul3A_546 = arith.muli %get3A_543, %mul3A_545 : vector<16xi32>
    %add3A_547 = arith.addi %mul3A_546, %get3A_540 : vector<16xi32>
    %add3A_548 = arith.constant 288 : i32
    %add3A_549 = vector.broadcast %add3A_548 : i32 to vector<16xi32>
    %add3A_550 = arith.addi %add3A_547, %add3A_549 : vector<16xi32>
    %shift_right_logical3A_551 = arith.constant 2 : i32
    %shift_right_logical3A_552 = vector.broadcast %shift_right_logical3A_551 : i32 to vector<16xi32>
    %shift_right_logical3A_553 = arith.shrui %add3A_550, %shift_right_logical3A_552 : vector<16xi32>
    %sub3A_554 = arith.constant 80 : i32
    %sub3A_555 = arith.subi %sub3A_554, %mul3A_6 : i32
    %add3A_556 = vector.broadcast %sub3A_555 : i32 to vector<16xi32>
    %add3A_557 = arith.addi %shift_right_logical3A_553, %add3A_556 : vector<16xi32>
    %ge3A_558 = arith.constant 0 : i32
    %ge3A_559 = vector.broadcast %ge3A_558 : i32 to vector<16xi32>
    %ge3A_560 = arith.cmpi sge, %add3A_557, %ge3A_559 : vector<16xi32>
    %lt3A_561 = arith.constant 9880 : i32
    %lt3A_562 = vector.broadcast %lt3A_561 : i32 to vector<16xi32>
    %lt3A_563 = arith.cmpi slt, %add3A_557, %lt3A_562 : vector<16xi32>
    %and3A_564 = arith.andi %ge3A_560, %lt3A_563 : vector<16xi1>
    %jit3A_565 = arith.constant 9880 : i32
    %broadcast_in_dim3A_566 = vector.broadcast %jit3A_565 : i32 to vector<16xi32>
    %select_n3A_567 = arith.select %and3A_564, %add3A_557, %broadcast_in_dim3A_566 : vector<16xi1>, vector<16xi32>
    %swap3A_568 = arith.constant 1 : i32
    %swap3A_569 = arith.index_cast %swap3A_568 : i32 to index
    %swap3A_570 = arith.constant 112 : index
    %swap3A_571 = tpu.vector_load %arg8[%swap3A_569, %swap3A_570] {strides = array<i32>} : memref<2x128xi32, #tpu.memory_space<vmem>>, vector<1x16xi32>,
    %swap3A_572 = vector.shape_cast %swap3A_571 : vector<1x16xi32> to vector<16xi32>
    %swap3A_573 = vector.shape_cast %select_n3A_567 : vector<16xi32> to vector<1x16xi32>
    tpu.vector_store %arg8[%swap3A_569, %swap3A_570], %swap3A_573 {strides = array<i32>} : memref<2x128xi32, #tpu.memory_space<vmem>>, vector<1x16xi32>,
    %run_scoped3A = arith.constant 0 : i32
    "tpu.region"() ({
      %run_scoped3A_1168 = tpu.sem_alloc : memref<!tpu.dma_semaphore, #tpu.memory_space<semaphore_mem>>
      %dma_start3A = arith.constant 0 : i32
      %dma_start3A_1169 = arith.constant 0 : i32
      %dma_start3A_1170 = tpu.memref_slice %arg11[%dma_start3A, %dma_start3A_1169] : memref<256x128xf32, #tpu.memory_space<vmem>> -> memref<128x128xf32, #tpu.memory_space<vmem>>
      %dma_start3A_1171 = arith.constant 0 : i32
      %dma_start3A_1172 = tpu.memref_slice %arg8[%run_scoped3A, %dma_start3A_1171] : memref<2x128xi32, #tpu.memory_space<vmem>> -> memref<1x128xi32, #tpu.memory_space<vmem>>
      %dma_start3A_1173 = tpu.memref_squeeze %dma_start3A_1172 : memref<1x128xi32, #tpu.memory_space<vmem>> -> memref<128xi32, #tpu.memory_space<vmem>>
      %dma_start3A_1174 = arith.constant 0 : i32
      %dma_start3A_1175 = arith.constant 0 : i32
      %dma_start3A_1176 = tpu.memref_slice %arg7[%dma_start3A_1174, %dma_start3A_1175] : memref<9881x128xf32, #tpu.memory_space<vmem_shared>> -> memref<9881x128xf32, #tpu.memory_space<vmem_shared>>
      tpu.enqueue_indirect_dma source(%dma_start3A_1170 : memref<128x128xf32, #tpu.memory_space<vmem>>) target(%dma_start3A_1176 : memref<9881x128xf32, #tpu.memory_space<vmem_shared>>) offsets(%dma_start3A_1173 : memref<128xi32, #tpu.memory_space<vmem>>) semaphore(%run_scoped3A_1168 : memref<!tpu.dma_semaphore, #tpu.memory_space<semaphore_mem>>) {add = true}
      %dma_wait3A = arith.constant 0 : i32
      %dma_wait3A_1177 = arith.constant 0 : i32
      %dma_wait3A_1178 = tpu.memref_slice %arg11[%dma_wait3A, %dma_wait3A_1177] : memref<256x128xf32, #tpu.memory_space<vmem>> -> memref<128x128xf32, #tpu.memory_space<vmem>>
      %dma_wait3A_1179 = arith.constant 0 : i32
      %dma_wait3A_1180 = tpu.memref_slice %arg8[%run_scoped3A, %dma_wait3A_1179] : memref<2x128xi32, #tpu.memory_space<vmem>> -> memref<1x128xi32, #tpu.memory_space<vmem>>
      %dma_wait3A_1181 = tpu.memref_squeeze %dma_wait3A_1180 : memref<1x128xi32, #tpu.memory_space<vmem>> -> memref<128xi32, #tpu.memory_space<vmem>>
      %dma_wait3A_1182 = arith.constant 0 : i32
      %dma_wait3A_1183 = arith.constant 0 : i32
      %dma_wait3A_1184 = tpu.memref_slice %arg7[%dma_wait3A_1182, %dma_wait3A_1183] : memref<9881x128xf32, #tpu.memory_space<vmem_shared>> -> memref<9881x128xf32, #tpu.memory_space<vmem_shared>>
      tpu.wait_indirect_dma semaphore(%run_scoped3A_1168 : memref<!tpu.dma_semaphore, #tpu.memory_space<semaphore_mem>>) src(%dma_wait3A_1178 : memref<128x128xf32, #tpu.memory_space<vmem>>) dst(%dma_wait3A_1184 : memref<9881x128xf32, #tpu.memory_space<vmem_shared>>)
      tpu.yield
    }) : () -> ()
    %run_scoped3A_574 = arith.constant 1 : i32
    "tpu.region"() ({
      %run_scoped3A_1168 = tpu.sem_alloc : memref<!tpu.dma_semaphore, #tpu.memory_space<semaphore_mem>>
      %dma_start3A = arith.constant 128 : i32
      %dma_start3A_1169 = arith.constant 0 : i32
      %dma_start3A_1170 = tpu.memref_slice %arg11[%dma_start3A, %dma_start3A_1169] : memref<256x128xf32, #tpu.memory_space<vmem>> -> memref<128x128xf32, #tpu.memory_space<vmem>>
      %dma_start3A_1171 = arith.constant 0 : i32
      %dma_start3A_1172 = tpu.memref_slice %arg8[%run_scoped3A_574, %dma_start3A_1171] : memref<2x128xi32, #tpu.memory_space<vmem>> -> memref<1x128xi32, #tpu.memory_space<vmem>>
      %dma_start3A_1173 = tpu.memref_squeeze %dma_start3A_1172 : memref<1x128xi32, #tpu.memory_space<vmem>> -> memref<128xi32, #tpu.memory_space<vmem>>
      %dma_start3A_1174 = arith.constant 0 : i32
      %dma_start3A_1175 = arith.constant 0 : i32
      %dma_start3A_1176 = tpu.memref_slice %arg7[%dma_start3A_1174, %dma_start3A_1175] : memref<9881x128xf32, #tpu.memory_space<vmem_shared>> -> memref<9881x128xf32, #tpu.memory_space<vmem_shared>>
      tpu.enqueue_indirect_dma source(%dma_start3A_1170 : memref<128x128xf32, #tpu.memory_space<vmem>>) target(%dma_start3A_1176 : memref<9881x128xf32, #tpu.memory_space<vmem_shared>>) offsets(%dma_start3A_1173 : memref<128xi32, #tpu.memory_space<vmem>>) semaphore(%run_scoped3A_1168 : memref<!tpu.dma_semaphore, #tpu.memory_space<semaphore_mem>>) {add = true}
      %dma_wait3A = arith.constant 128 : i32
      %dma_wait3A_1177 = arith.constant 0 : i32
      %dma_wait3A_1178 = tpu.memref_slice %arg11[%dma_wait3A, %dma_wait3A_1177] : memref<256x128xf32, #tpu.memory_space<vmem>> -> memref<128x128xf32, #tpu.memory_space<vmem>>
      %dma_wait3A_1179 = arith.constant 0 : i32
      %dma_wait3A_1180 = tpu.memref_slice %arg8[%run_scoped3A_574, %dma_wait3A_1179] : memref<2x128xi32, #tpu.memory_space<vmem>> -> memref<1x128xi32, #tpu.memory_space<vmem>>
      %dma_wait3A_1181 = tpu.memref_squeeze %dma_wait3A_1180 : memref<1x128xi32, #tpu.memory_space<vmem>> -> memref<128xi32, #tpu.memory_space<vmem>>
      %dma_wait3A_1182 = arith.constant 0 : i32
      %dma_wait3A_1183 = arith.constant 0 : i32
      %dma_wait3A_1184 = tpu.memref_slice %arg7[%dma_wait3A_1182, %dma_wait3A_1183] : memref<9881x128xf32, #tpu.memory_space<vmem_shared>> -> memref<9881x128xf32, #tpu.memory_space<vmem_shared>>
      tpu.wait_indirect_dma semaphore(%run_scoped3A_1168 : memref<!tpu.dma_semaphore, #tpu.memory_space<semaphore_mem>>) src(%dma_wait3A_1178 : memref<128x128xf32, #tpu.memory_space<vmem>>) dst(%dma_wait3A_1184 : memref<9881x128xf32, #tpu.memory_space<vmem_shared>>)
      tpu.yield
    }) : () -> ()
    %add3A_575 = arith.constant 256 : i32
    %add3A_576 = arith.addi %mul3A_4, %add3A_575 : i32
    "tpu.region"() ({
      %run_scoped3A_1168 = tpu.sem_alloc : memref<!tpu.dma_semaphore, #tpu.memory_space<semaphore_mem>>
      %dma_start3A = arith.constant 0 : i32
      %dma_start3A_1169 = tpu.memref_slice %arg2[%add3A_576, %dma_start3A] : memref<8192x128xf32, #tpu.memory_space<hbm>> -> memref<256x128xf32, #tpu.memory_space<hbm>>
      %dma_start3A_1170 = arith.constant 0 : i32
      %dma_start3A_1171 = tpu.memref_slice %arg2[%add3A_576, %dma_start3A_1170] : memref<8192x128xf32, #tpu.memory_space<hbm>> -> memref<256x128xf32, #tpu.memory_space<hbm>>
      tpu.enqueue_dma source(%dma_start3A_1171 : memref<256x128xf32, #tpu.memory_space<hbm>>) target(%arg11 : memref<256x128xf32, #tpu.memory_space<vmem>>) target_semaphore(%run_scoped3A_1168 : memref<!tpu.dma_semaphore, #tpu.memory_space<semaphore_mem>>)
      %dma_wait3A = arith.constant 0 : i32
      %dma_wait3A_1172 = tpu.memref_slice %arg2[%add3A_576, %dma_wait3A] : memref<8192x128xf32, #tpu.memory_space<hbm>> -> memref<256x128xf32, #tpu.memory_space<hbm>>
      %dma_wait3A_1173 = arith.constant 0 : i32
      %dma_wait3A_1174 = tpu.memref_slice %arg2[%add3A_576, %dma_wait3A_1173] : memref<8192x128xf32, #tpu.memory_space<hbm>> -> memref<256x128xf32, #tpu.memory_space<hbm>>
      tpu.wait_dma2 semaphore(%run_scoped3A_1168 : memref<!tpu.dma_semaphore, #tpu.memory_space<semaphore_mem>>) src(%dma_wait3A_1174 : memref<256x128xf32, #tpu.memory_space<hbm>>) dst(%arg11 : memref<256x128xf32, #tpu.memory_space<vmem>>)
      tpu.yield
    }) : () -> ()
    %get3A_577 = arith.constant 256 : index
    %get3A_578 = tpu.vector_load %arg9[%get3A_577] {strides = array<i32>} : memref<512xi32, #tpu.memory_space<vmem>>, vector<16xi32>,
    %get3A_579 = vector.shape_cast %get3A_578 : vector<16xi32> to vector<16xi32>
    %get3A_580 = arith.constant 256 : index
    %get3A_581 = tpu.vector_load %arg10[%get3A_580] {strides = array<i32>} : memref<512xi32, #tpu.memory_space<vmem>>, vector<16xi32>,
    %get3A_582 = vector.shape_cast %get3A_581 : vector<16xi32> to vector<16xi32>
    %mul3A_583 = arith.constant 288 : i32
    %mul3A_584 = vector.broadcast %mul3A_583 : i32 to vector<16xi32>
    %mul3A_585 = arith.muli %get3A_582, %mul3A_584 : vector<16xi32>
    %add3A_586 = arith.addi %mul3A_585, %get3A_579 : vector<16xi32>
    %add3A_587 = arith.constant 288 : i32
    %add3A_588 = vector.broadcast %add3A_587 : i32 to vector<16xi32>
    %add3A_589 = arith.addi %add3A_586, %add3A_588 : vector<16xi32>
    %shift_right_logical3A_590 = arith.constant 2 : i32
    %shift_right_logical3A_591 = vector.broadcast %shift_right_logical3A_590 : i32 to vector<16xi32>
    %shift_right_logical3A_592 = arith.shrui %add3A_589, %shift_right_logical3A_591 : vector<16xi32>
    %sub3A_593 = arith.constant 80 : i32
    %sub3A_594 = arith.subi %sub3A_593, %mul3A_6 : i32
    %add3A_595 = vector.broadcast %sub3A_594 : i32 to vector<16xi32>
    %add3A_596 = arith.addi %shift_right_logical3A_592, %add3A_595 : vector<16xi32>
    %ge3A_597 = arith.constant 0 : i32
    %ge3A_598 = vector.broadcast %ge3A_597 : i32 to vector<16xi32>
    %ge3A_599 = arith.cmpi sge, %add3A_596, %ge3A_598 : vector<16xi32>
    %lt3A_600 = arith.constant 9880 : i32
    %lt3A_601 = vector.broadcast %lt3A_600 : i32 to vector<16xi32>
    %lt3A_602 = arith.cmpi slt, %add3A_596, %lt3A_601 : vector<16xi32>
    %and3A_603 = arith.andi %ge3A_599, %lt3A_602 : vector<16xi1>
    %jit3A_604 = arith.constant 9880 : i32
    %broadcast_in_dim3A_605 = vector.broadcast %jit3A_604 : i32 to vector<16xi32>
    %select_n3A_606 = arith.select %and3A_603, %add3A_596, %broadcast_in_dim3A_605 : vector<16xi1>, vector<16xi32>
    %swap3A_607 = arith.constant 0 : i32
    %swap3A_608 = arith.index_cast %swap3A_607 : i32 to index
    %swap3A_609 = arith.constant 0 : index
    %swap3A_610 = tpu.vector_load %arg8[%swap3A_608, %swap3A_609] {strides = array<i32>} : memref<2x128xi32, #tpu.memory_space<vmem>>, vector<1x16xi32>,
    %swap3A_611 = vector.shape_cast %swap3A_610 : vector<1x16xi32> to vector<16xi32>
    %swap3A_612 = vector.shape_cast %select_n3A_606 : vector<16xi32> to vector<1x16xi32>
    tpu.vector_store %arg8[%swap3A_608, %swap3A_609], %swap3A_612 {strides = array<i32>} : memref<2x128xi32, #tpu.memory_space<vmem>>, vector<1x16xi32>,
    %get3A_613 = arith.constant 272 : index
    %get3A_614 = tpu.vector_load %arg9[%get3A_613] {strides = array<i32>} : memref<512xi32, #tpu.memory_space<vmem>>, vector<16xi32>,
    %get3A_615 = vector.shape_cast %get3A_614 : vector<16xi32> to vector<16xi32>
    %get3A_616 = arith.constant 272 : index
    %get3A_617 = tpu.vector_load %arg10[%get3A_616] {strides = array<i32>} : memref<512xi32, #tpu.memory_space<vmem>>, vector<16xi32>,
    %get3A_618 = vector.shape_cast %get3A_617 : vector<16xi32> to vector<16xi32>
    %mul3A_619 = arith.constant 288 : i32
    %mul3A_620 = vector.broadcast %mul3A_619 : i32 to vector<16xi32>
    %mul3A_621 = arith.muli %get3A_618, %mul3A_620 : vector<16xi32>
    %add3A_622 = arith.addi %mul3A_621, %get3A_615 : vector<16xi32>
    %add3A_623 = arith.constant 288 : i32
    %add3A_624 = vector.broadcast %add3A_623 : i32 to vector<16xi32>
    %add3A_625 = arith.addi %add3A_622, %add3A_624 : vector<16xi32>
    %shift_right_logical3A_626 = arith.constant 2 : i32
    %shift_right_logical3A_627 = vector.broadcast %shift_right_logical3A_626 : i32 to vector<16xi32>
    %shift_right_logical3A_628 = arith.shrui %add3A_625, %shift_right_logical3A_627 : vector<16xi32>
    %sub3A_629 = arith.constant 80 : i32
    %sub3A_630 = arith.subi %sub3A_629, %mul3A_6 : i32
    %add3A_631 = vector.broadcast %sub3A_630 : i32 to vector<16xi32>
    %add3A_632 = arith.addi %shift_right_logical3A_628, %add3A_631 : vector<16xi32>
    %ge3A_633 = arith.constant 0 : i32
    %ge3A_634 = vector.broadcast %ge3A_633 : i32 to vector<16xi32>
    %ge3A_635 = arith.cmpi sge, %add3A_632, %ge3A_634 : vector<16xi32>
    %lt3A_636 = arith.constant 9880 : i32
    %lt3A_637 = vector.broadcast %lt3A_636 : i32 to vector<16xi32>
    %lt3A_638 = arith.cmpi slt, %add3A_632, %lt3A_637 : vector<16xi32>
    %and3A_639 = arith.andi %ge3A_635, %lt3A_638 : vector<16xi1>
    %jit3A_640 = arith.constant 9880 : i32
    %broadcast_in_dim3A_641 = vector.broadcast %jit3A_640 : i32 to vector<16xi32>
    %select_n3A_642 = arith.select %and3A_639, %add3A_632, %broadcast_in_dim3A_641 : vector<16xi1>, vector<16xi32>
    %swap3A_643 = arith.constant 0 : i32
    %swap3A_644 = arith.index_cast %swap3A_643 : i32 to index
    %swap3A_645 = arith.constant 16 : index
    %swap3A_646 = tpu.vector_load %arg8[%swap3A_644, %swap3A_645] {strides = array<i32>} : memref<2x128xi32, #tpu.memory_space<vmem>>, vector<1x16xi32>,
    %swap3A_647 = vector.shape_cast %swap3A_646 : vector<1x16xi32> to vector<16xi32>
    %swap3A_648 = vector.shape_cast %select_n3A_642 : vector<16xi32> to vector<1x16xi32>
    tpu.vector_store %arg8[%swap3A_644, %swap3A_645], %swap3A_648 {strides = array<i32>} : memref<2x128xi32, #tpu.memory_space<vmem>>, vector<1x16xi32>,
    %get3A_649 = arith.constant 288 : index
    %get3A_650 = tpu.vector_load %arg9[%get3A_649] {strides = array<i32>} : memref<512xi32, #tpu.memory_space<vmem>>, vector<16xi32>,
    %get3A_651 = vector.shape_cast %get3A_650 : vector<16xi32> to vector<16xi32>
    %get3A_652 = arith.constant 288 : index
    %get3A_653 = tpu.vector_load %arg10[%get3A_652] {strides = array<i32>} : memref<512xi32, #tpu.memory_space<vmem>>, vector<16xi32>,
    %get3A_654 = vector.shape_cast %get3A_653 : vector<16xi32> to vector<16xi32>
    %mul3A_655 = arith.constant 288 : i32
    %mul3A_656 = vector.broadcast %mul3A_655 : i32 to vector<16xi32>
    %mul3A_657 = arith.muli %get3A_654, %mul3A_656 : vector<16xi32>
    %add3A_658 = arith.addi %mul3A_657, %get3A_651 : vector<16xi32>
    %add3A_659 = arith.constant 288 : i32
    %add3A_660 = vector.broadcast %add3A_659 : i32 to vector<16xi32>
    %add3A_661 = arith.addi %add3A_658, %add3A_660 : vector<16xi32>
    %shift_right_logical3A_662 = arith.constant 2 : i32
    %shift_right_logical3A_663 = vector.broadcast %shift_right_logical3A_662 : i32 to vector<16xi32>
    %shift_right_logical3A_664 = arith.shrui %add3A_661, %shift_right_logical3A_663 : vector<16xi32>
    %sub3A_665 = arith.constant 80 : i32
    %sub3A_666 = arith.subi %sub3A_665, %mul3A_6 : i32
    %add3A_667 = vector.broadcast %sub3A_666 : i32 to vector<16xi32>
    %add3A_668 = arith.addi %shift_right_logical3A_664, %add3A_667 : vector<16xi32>
    %ge3A_669 = arith.constant 0 : i32
    %ge3A_670 = vector.broadcast %ge3A_669 : i32 to vector<16xi32>
    %ge3A_671 = arith.cmpi sge, %add3A_668, %ge3A_670 : vector<16xi32>
    %lt3A_672 = arith.constant 9880 : i32
    %lt3A_673 = vector.broadcast %lt3A_672 : i32 to vector<16xi32>
    %lt3A_674 = arith.cmpi slt, %add3A_668, %lt3A_673 : vector<16xi32>
    %and3A_675 = arith.andi %ge3A_671, %lt3A_674 : vector<16xi1>
    %jit3A_676 = arith.constant 9880 : i32
    %broadcast_in_dim3A_677 = vector.broadcast %jit3A_676 : i32 to vector<16xi32>
    %select_n3A_678 = arith.select %and3A_675, %add3A_668, %broadcast_in_dim3A_677 : vector<16xi1>, vector<16xi32>
    %swap3A_679 = arith.constant 0 : i32
    %swap3A_680 = arith.index_cast %swap3A_679 : i32 to index
    %swap3A_681 = arith.constant 32 : index
    %swap3A_682 = tpu.vector_load %arg8[%swap3A_680, %swap3A_681] {strides = array<i32>} : memref<2x128xi32, #tpu.memory_space<vmem>>, vector<1x16xi32>,
    %swap3A_683 = vector.shape_cast %swap3A_682 : vector<1x16xi32> to vector<16xi32>
    %swap3A_684 = vector.shape_cast %select_n3A_678 : vector<16xi32> to vector<1x16xi32>
    tpu.vector_store %arg8[%swap3A_680, %swap3A_681], %swap3A_684 {strides = array<i32>} : memref<2x128xi32, #tpu.memory_space<vmem>>, vector<1x16xi32>,
    %get3A_685 = arith.constant 304 : index
    %get3A_686 = tpu.vector_load %arg9[%get3A_685] {strides = array<i32>} : memref<512xi32, #tpu.memory_space<vmem>>, vector<16xi32>,
    %get3A_687 = vector.shape_cast %get3A_686 : vector<16xi32> to vector<16xi32>
    %get3A_688 = arith.constant 304 : index
    %get3A_689 = tpu.vector_load %arg10[%get3A_688] {strides = array<i32>} : memref<512xi32, #tpu.memory_space<vmem>>, vector<16xi32>,
    %get3A_690 = vector.shape_cast %get3A_689 : vector<16xi32> to vector<16xi32>
    %mul3A_691 = arith.constant 288 : i32
    %mul3A_692 = vector.broadcast %mul3A_691 : i32 to vector<16xi32>
    %mul3A_693 = arith.muli %get3A_690, %mul3A_692 : vector<16xi32>
    %add3A_694 = arith.addi %mul3A_693, %get3A_687 : vector<16xi32>
    %add3A_695 = arith.constant 288 : i32
    %add3A_696 = vector.broadcast %add3A_695 : i32 to vector<16xi32>
    %add3A_697 = arith.addi %add3A_694, %add3A_696 : vector<16xi32>
    %shift_right_logical3A_698 = arith.constant 2 : i32
    %shift_right_logical3A_699 = vector.broadcast %shift_right_logical3A_698 : i32 to vector<16xi32>
    %shift_right_logical3A_700 = arith.shrui %add3A_697, %shift_right_logical3A_699 : vector<16xi32>
    %sub3A_701 = arith.constant 80 : i32
    %sub3A_702 = arith.subi %sub3A_701, %mul3A_6 : i32
    %add3A_703 = vector.broadcast %sub3A_702 : i32 to vector<16xi32>
    %add3A_704 = arith.addi %shift_right_logical3A_700, %add3A_703 : vector<16xi32>
    %ge3A_705 = arith.constant 0 : i32
    %ge3A_706 = vector.broadcast %ge3A_705 : i32 to vector<16xi32>
    %ge3A_707 = arith.cmpi sge, %add3A_704, %ge3A_706 : vector<16xi32>
    %lt3A_708 = arith.constant 9880 : i32
    %lt3A_709 = vector.broadcast %lt3A_708 : i32 to vector<16xi32>
    %lt3A_710 = arith.cmpi slt, %add3A_704, %lt3A_709 : vector<16xi32>
    %and3A_711 = arith.andi %ge3A_707, %lt3A_710 : vector<16xi1>
    %jit3A_712 = arith.constant 9880 : i32
    %broadcast_in_dim3A_713 = vector.broadcast %jit3A_712 : i32 to vector<16xi32>
    %select_n3A_714 = arith.select %and3A_711, %add3A_704, %broadcast_in_dim3A_713 : vector<16xi1>, vector<16xi32>
    %swap3A_715 = arith.constant 0 : i32
    %swap3A_716 = arith.index_cast %swap3A_715 : i32 to index
    %swap3A_717 = arith.constant 48 : index
    %swap3A_718 = tpu.vector_load %arg8[%swap3A_716, %swap3A_717] {strides = array<i32>} : memref<2x128xi32, #tpu.memory_space<vmem>>, vector<1x16xi32>,
    %swap3A_719 = vector.shape_cast %swap3A_718 : vector<1x16xi32> to vector<16xi32>
    %swap3A_720 = vector.shape_cast %select_n3A_714 : vector<16xi32> to vector<1x16xi32>
    tpu.vector_store %arg8[%swap3A_716, %swap3A_717], %swap3A_720 {strides = array<i32>} : memref<2x128xi32, #tpu.memory_space<vmem>>, vector<1x16xi32>,
    %get3A_721 = arith.constant 320 : index
    %get3A_722 = tpu.vector_load %arg9[%get3A_721] {strides = array<i32>} : memref<512xi32, #tpu.memory_space<vmem>>, vector<16xi32>,
    %get3A_723 = vector.shape_cast %get3A_722 : vector<16xi32> to vector<16xi32>
    %get3A_724 = arith.constant 320 : index
    %get3A_725 = tpu.vector_load %arg10[%get3A_724] {strides = array<i32>} : memref<512xi32, #tpu.memory_space<vmem>>, vector<16xi32>,
    %get3A_726 = vector.shape_cast %get3A_725 : vector<16xi32> to vector<16xi32>
    %mul3A_727 = arith.constant 288 : i32
    %mul3A_728 = vector.broadcast %mul3A_727 : i32 to vector<16xi32>
    %mul3A_729 = arith.muli %get3A_726, %mul3A_728 : vector<16xi32>
    %add3A_730 = arith.addi %mul3A_729, %get3A_723 : vector<16xi32>
    %add3A_731 = arith.constant 288 : i32
    %add3A_732 = vector.broadcast %add3A_731 : i32 to vector<16xi32>
    %add3A_733 = arith.addi %add3A_730, %add3A_732 : vector<16xi32>
    %shift_right_logical3A_734 = arith.constant 2 : i32
    %shift_right_logical3A_735 = vector.broadcast %shift_right_logical3A_734 : i32 to vector<16xi32>
    %shift_right_logical3A_736 = arith.shrui %add3A_733, %shift_right_logical3A_735 : vector<16xi32>
    %sub3A_737 = arith.constant 80 : i32
    %sub3A_738 = arith.subi %sub3A_737, %mul3A_6 : i32
    %add3A_739 = vector.broadcast %sub3A_738 : i32 to vector<16xi32>
    %add3A_740 = arith.addi %shift_right_logical3A_736, %add3A_739 : vector<16xi32>
    %ge3A_741 = arith.constant 0 : i32
    %ge3A_742 = vector.broadcast %ge3A_741 : i32 to vector<16xi32>
    %ge3A_743 = arith.cmpi sge, %add3A_740, %ge3A_742 : vector<16xi32>
    %lt3A_744 = arith.constant 9880 : i32
    %lt3A_745 = vector.broadcast %lt3A_744 : i32 to vector<16xi32>
    %lt3A_746 = arith.cmpi slt, %add3A_740, %lt3A_745 : vector<16xi32>
    %and3A_747 = arith.andi %ge3A_743, %lt3A_746 : vector<16xi1>
    %jit3A_748 = arith.constant 9880 : i32
    %broadcast_in_dim3A_749 = vector.broadcast %jit3A_748 : i32 to vector<16xi32>
    %select_n3A_750 = arith.select %and3A_747, %add3A_740, %broadcast_in_dim3A_749 : vector<16xi1>, vector<16xi32>
    %swap3A_751 = arith.constant 0 : i32
    %swap3A_752 = arith.index_cast %swap3A_751 : i32 to index
    %swap3A_753 = arith.constant 64 : index
    %swap3A_754 = tpu.vector_load %arg8[%swap3A_752, %swap3A_753] {strides = array<i32>} : memref<2x128xi32, #tpu.memory_space<vmem>>, vector<1x16xi32>,
    %swap3A_755 = vector.shape_cast %swap3A_754 : vector<1x16xi32> to vector<16xi32>
    %swap3A_756 = vector.shape_cast %select_n3A_750 : vector<16xi32> to vector<1x16xi32>
    tpu.vector_store %arg8[%swap3A_752, %swap3A_753], %swap3A_756 {strides = array<i32>} : memref<2x128xi32, #tpu.memory_space<vmem>>, vector<1x16xi32>,
    %get3A_757 = arith.constant 336 : index
    %get3A_758 = tpu.vector_load %arg9[%get3A_757] {strides = array<i32>} : memref<512xi32, #tpu.memory_space<vmem>>, vector<16xi32>,
    %get3A_759 = vector.shape_cast %get3A_758 : vector<16xi32> to vector<16xi32>
    %get3A_760 = arith.constant 336 : index
    %get3A_761 = tpu.vector_load %arg10[%get3A_760] {strides = array<i32>} : memref<512xi32, #tpu.memory_space<vmem>>, vector<16xi32>,
    %get3A_762 = vector.shape_cast %get3A_761 : vector<16xi32> to vector<16xi32>
    %mul3A_763 = arith.constant 288 : i32
    %mul3A_764 = vector.broadcast %mul3A_763 : i32 to vector<16xi32>
    %mul3A_765 = arith.muli %get3A_762, %mul3A_764 : vector<16xi32>
    %add3A_766 = arith.addi %mul3A_765, %get3A_759 : vector<16xi32>
    %add3A_767 = arith.constant 288 : i32
    %add3A_768 = vector.broadcast %add3A_767 : i32 to vector<16xi32>
    %add3A_769 = arith.addi %add3A_766, %add3A_768 : vector<16xi32>
    %shift_right_logical3A_770 = arith.constant 2 : i32
    %shift_right_logical3A_771 = vector.broadcast %shift_right_logical3A_770 : i32 to vector<16xi32>
    %shift_right_logical3A_772 = arith.shrui %add3A_769, %shift_right_logical3A_771 : vector<16xi32>
    %sub3A_773 = arith.constant 80 : i32
    %sub3A_774 = arith.subi %sub3A_773, %mul3A_6 : i32
    %add3A_775 = vector.broadcast %sub3A_774 : i32 to vector<16xi32>
    %add3A_776 = arith.addi %shift_right_logical3A_772, %add3A_775 : vector<16xi32>
    %ge3A_777 = arith.constant 0 : i32
    %ge3A_778 = vector.broadcast %ge3A_777 : i32 to vector<16xi32>
    %ge3A_779 = arith.cmpi sge, %add3A_776, %ge3A_778 : vector<16xi32>
    %lt3A_780 = arith.constant 9880 : i32
    %lt3A_781 = vector.broadcast %lt3A_780 : i32 to vector<16xi32>
    %lt3A_782 = arith.cmpi slt, %add3A_776, %lt3A_781 : vector<16xi32>
    %and3A_783 = arith.andi %ge3A_779, %lt3A_782 : vector<16xi1>
    %jit3A_784 = arith.constant 9880 : i32
    %broadcast_in_dim3A_785 = vector.broadcast %jit3A_784 : i32 to vector<16xi32>
    %select_n3A_786 = arith.select %and3A_783, %add3A_776, %broadcast_in_dim3A_785 : vector<16xi1>, vector<16xi32>
    %swap3A_787 = arith.constant 0 : i32
    %swap3A_788 = arith.index_cast %swap3A_787 : i32 to index
    %swap3A_789 = arith.constant 80 : index
    %swap3A_790 = tpu.vector_load %arg8[%swap3A_788, %swap3A_789] {strides = array<i32>} : memref<2x128xi32, #tpu.memory_space<vmem>>, vector<1x16xi32>,
    %swap3A_791 = vector.shape_cast %swap3A_790 : vector<1x16xi32> to vector<16xi32>
    %swap3A_792 = vector.shape_cast %select_n3A_786 : vector<16xi32> to vector<1x16xi32>
    tpu.vector_store %arg8[%swap3A_788, %swap3A_789], %swap3A_792 {strides = array<i32>} : memref<2x128xi32, #tpu.memory_space<vmem>>, vector<1x16xi32>,
    %get3A_793 = arith.constant 352 : index
    %get3A_794 = tpu.vector_load %arg9[%get3A_793] {strides = array<i32>} : memref<512xi32, #tpu.memory_space<vmem>>, vector<16xi32>,
    %get3A_795 = vector.shape_cast %get3A_794 : vector<16xi32> to vector<16xi32>
    %get3A_796 = arith.constant 352 : index
    %get3A_797 = tpu.vector_load %arg10[%get3A_796] {strides = array<i32>} : memref<512xi32, #tpu.memory_space<vmem>>, vector<16xi32>,
    %get3A_798 = vector.shape_cast %get3A_797 : vector<16xi32> to vector<16xi32>
    %mul3A_799 = arith.constant 288 : i32
    %mul3A_800 = vector.broadcast %mul3A_799 : i32 to vector<16xi32>
    %mul3A_801 = arith.muli %get3A_798, %mul3A_800 : vector<16xi32>
    %add3A_802 = arith.addi %mul3A_801, %get3A_795 : vector<16xi32>
    %add3A_803 = arith.constant 288 : i32
    %add3A_804 = vector.broadcast %add3A_803 : i32 to vector<16xi32>
    %add3A_805 = arith.addi %add3A_802, %add3A_804 : vector<16xi32>
    %shift_right_logical3A_806 = arith.constant 2 : i32
    %shift_right_logical3A_807 = vector.broadcast %shift_right_logical3A_806 : i32 to vector<16xi32>
    %shift_right_logical3A_808 = arith.shrui %add3A_805, %shift_right_logical3A_807 : vector<16xi32>
    %sub3A_809 = arith.constant 80 : i32
    %sub3A_810 = arith.subi %sub3A_809, %mul3A_6 : i32
    %add3A_811 = vector.broadcast %sub3A_810 : i32 to vector<16xi32>
    %add3A_812 = arith.addi %shift_right_logical3A_808, %add3A_811 : vector<16xi32>
    %ge3A_813 = arith.constant 0 : i32
    %ge3A_814 = vector.broadcast %ge3A_813 : i32 to vector<16xi32>
    %ge3A_815 = arith.cmpi sge, %add3A_812, %ge3A_814 : vector<16xi32>
    %lt3A_816 = arith.constant 9880 : i32
    %lt3A_817 = vector.broadcast %lt3A_816 : i32 to vector<16xi32>
    %lt3A_818 = arith.cmpi slt, %add3A_812, %lt3A_817 : vector<16xi32>
    %and3A_819 = arith.andi %ge3A_815, %lt3A_818 : vector<16xi1>
    %jit3A_820 = arith.constant 9880 : i32
    %broadcast_in_dim3A_821 = vector.broadcast %jit3A_820 : i32 to vector<16xi32>
    %select_n3A_822 = arith.select %and3A_819, %add3A_812, %broadcast_in_dim3A_821 : vector<16xi1>, vector<16xi32>
    %swap3A_823 = arith.constant 0 : i32
    %swap3A_824 = arith.index_cast %swap3A_823 : i32 to index
    %swap3A_825 = arith.constant 96 : index
    %swap3A_826 = tpu.vector_load %arg8[%swap3A_824, %swap3A_825] {strides = array<i32>} : memref<2x128xi32, #tpu.memory_space<vmem>>, vector<1x16xi32>,
    %swap3A_827 = vector.shape_cast %swap3A_826 : vector<1x16xi32> to vector<16xi32>
    %swap3A_828 = vector.shape_cast %select_n3A_822 : vector<16xi32> to vector<1x16xi32>
    tpu.vector_store %arg8[%swap3A_824, %swap3A_825], %swap3A_828 {strides = array<i32>} : memref<2x128xi32, #tpu.memory_space<vmem>>, vector<1x16xi32>,
    %get3A_829 = arith.constant 368 : index
    %get3A_830 = tpu.vector_load %arg9[%get3A_829] {strides = array<i32>} : memref<512xi32, #tpu.memory_space<vmem>>, vector<16xi32>,
    %get3A_831 = vector.shape_cast %get3A_830 : vector<16xi32> to vector<16xi32>
    %get3A_832 = arith.constant 368 : index
    %get3A_833 = tpu.vector_load %arg10[%get3A_832] {strides = array<i32>} : memref<512xi32, #tpu.memory_space<vmem>>, vector<16xi32>,
    %get3A_834 = vector.shape_cast %get3A_833 : vector<16xi32> to vector<16xi32>
    %mul3A_835 = arith.constant 288 : i32
    %mul3A_836 = vector.broadcast %mul3A_835 : i32 to vector<16xi32>
    %mul3A_837 = arith.muli %get3A_834, %mul3A_836 : vector<16xi32>
    %add3A_838 = arith.addi %mul3A_837, %get3A_831 : vector<16xi32>
    %add3A_839 = arith.constant 288 : i32
    %add3A_840 = vector.broadcast %add3A_839 : i32 to vector<16xi32>
    %add3A_841 = arith.addi %add3A_838, %add3A_840 : vector<16xi32>
    %shift_right_logical3A_842 = arith.constant 2 : i32
    %shift_right_logical3A_843 = vector.broadcast %shift_right_logical3A_842 : i32 to vector<16xi32>
    %shift_right_logical3A_844 = arith.shrui %add3A_841, %shift_right_logical3A_843 : vector<16xi32>
    %sub3A_845 = arith.constant 80 : i32
    %sub3A_846 = arith.subi %sub3A_845, %mul3A_6 : i32
    %add3A_847 = vector.broadcast %sub3A_846 : i32 to vector<16xi32>
    %add3A_848 = arith.addi %shift_right_logical3A_844, %add3A_847 : vector<16xi32>
    %ge3A_849 = arith.constant 0 : i32
    %ge3A_850 = vector.broadcast %ge3A_849 : i32 to vector<16xi32>
    %ge3A_851 = arith.cmpi sge, %add3A_848, %ge3A_850 : vector<16xi32>
    %lt3A_852 = arith.constant 9880 : i32
    %lt3A_853 = vector.broadcast %lt3A_852 : i32 to vector<16xi32>
    %lt3A_854 = arith.cmpi slt, %add3A_848, %lt3A_853 : vector<16xi32>
    %and3A_855 = arith.andi %ge3A_851, %lt3A_854 : vector<16xi1>
    %jit3A_856 = arith.constant 9880 : i32
    %broadcast_in_dim3A_857 = vector.broadcast %jit3A_856 : i32 to vector<16xi32>
    %select_n3A_858 = arith.select %and3A_855, %add3A_848, %broadcast_in_dim3A_857 : vector<16xi1>, vector<16xi32>
    %swap3A_859 = arith.constant 0 : i32
    %swap3A_860 = arith.index_cast %swap3A_859 : i32 to index
    %swap3A_861 = arith.constant 112 : index
    %swap3A_862 = tpu.vector_load %arg8[%swap3A_860, %swap3A_861] {strides = array<i32>} : memref<2x128xi32, #tpu.memory_space<vmem>>, vector<1x16xi32>,
    %swap3A_863 = vector.shape_cast %swap3A_862 : vector<1x16xi32> to vector<16xi32>
    %swap3A_864 = vector.shape_cast %select_n3A_858 : vector<16xi32> to vector<1x16xi32>
    tpu.vector_store %arg8[%swap3A_860, %swap3A_861], %swap3A_864 {strides = array<i32>} : memref<2x128xi32, #tpu.memory_space<vmem>>, vector<1x16xi32>,
    %get3A_865 = arith.constant 384 : index
    %get3A_866 = tpu.vector_load %arg9[%get3A_865] {strides = array<i32>} : memref<512xi32, #tpu.memory_space<vmem>>, vector<16xi32>,
    %get3A_867 = vector.shape_cast %get3A_866 : vector<16xi32> to vector<16xi32>
    %get3A_868 = arith.constant 384 : index
    %get3A_869 = tpu.vector_load %arg10[%get3A_868] {strides = array<i32>} : memref<512xi32, #tpu.memory_space<vmem>>, vector<16xi32>,
    %get3A_870 = vector.shape_cast %get3A_869 : vector<16xi32> to vector<16xi32>
    %mul3A_871 = arith.constant 288 : i32
    %mul3A_872 = vector.broadcast %mul3A_871 : i32 to vector<16xi32>
    %mul3A_873 = arith.muli %get3A_870, %mul3A_872 : vector<16xi32>
    %add3A_874 = arith.addi %mul3A_873, %get3A_867 : vector<16xi32>
    %add3A_875 = arith.constant 288 : i32
    %add3A_876 = vector.broadcast %add3A_875 : i32 to vector<16xi32>
    %add3A_877 = arith.addi %add3A_874, %add3A_876 : vector<16xi32>
    %shift_right_logical3A_878 = arith.constant 2 : i32
    %shift_right_logical3A_879 = vector.broadcast %shift_right_logical3A_878 : i32 to vector<16xi32>
    %shift_right_logical3A_880 = arith.shrui %add3A_877, %shift_right_logical3A_879 : vector<16xi32>
    %sub3A_881 = arith.constant 80 : i32
    %sub3A_882 = arith.subi %sub3A_881, %mul3A_6 : i32
    %add3A_883 = vector.broadcast %sub3A_882 : i32 to vector<16xi32>
    %add3A_884 = arith.addi %shift_right_logical3A_880, %add3A_883 : vector<16xi32>
    %ge3A_885 = arith.constant 0 : i32
    %ge3A_886 = vector.broadcast %ge3A_885 : i32 to vector<16xi32>
    %ge3A_887 = arith.cmpi sge, %add3A_884, %ge3A_886 : vector<16xi32>
    %lt3A_888 = arith.constant 9880 : i32
    %lt3A_889 = vector.broadcast %lt3A_888 : i32 to vector<16xi32>
    %lt3A_890 = arith.cmpi slt, %add3A_884, %lt3A_889 : vector<16xi32>
    %and3A_891 = arith.andi %ge3A_887, %lt3A_890 : vector<16xi1>
    %jit3A_892 = arith.constant 9880 : i32
    %broadcast_in_dim3A_893 = vector.broadcast %jit3A_892 : i32 to vector<16xi32>
    %select_n3A_894 = arith.select %and3A_891, %add3A_884, %broadcast_in_dim3A_893 : vector<16xi1>, vector<16xi32>
    %swap3A_895 = arith.constant 1 : i32
    %swap3A_896 = arith.index_cast %swap3A_895 : i32 to index
    %swap3A_897 = arith.constant 0 : index
    %swap3A_898 = tpu.vector_load %arg8[%swap3A_896, %swap3A_897] {strides = array<i32>} : memref<2x128xi32, #tpu.memory_space<vmem>>, vector<1x16xi32>,
    %swap3A_899 = vector.shape_cast %swap3A_898 : vector<1x16xi32> to vector<16xi32>
    %swap3A_900 = vector.shape_cast %select_n3A_894 : vector<16xi32> to vector<1x16xi32>
    tpu.vector_store %arg8[%swap3A_896, %swap3A_897], %swap3A_900 {strides = array<i32>} : memref<2x128xi32, #tpu.memory_space<vmem>>, vector<1x16xi32>,
    %get3A_901 = arith.constant 400 : index
    %get3A_902 = tpu.vector_load %arg9[%get3A_901] {strides = array<i32>} : memref<512xi32, #tpu.memory_space<vmem>>, vector<16xi32>,
    %get3A_903 = vector.shape_cast %get3A_902 : vector<16xi32> to vector<16xi32>
    %get3A_904 = arith.constant 400 : index
    %get3A_905 = tpu.vector_load %arg10[%get3A_904] {strides = array<i32>} : memref<512xi32, #tpu.memory_space<vmem>>, vector<16xi32>,
    %get3A_906 = vector.shape_cast %get3A_905 : vector<16xi32> to vector<16xi32>
    %mul3A_907 = arith.constant 288 : i32
    %mul3A_908 = vector.broadcast %mul3A_907 : i32 to vector<16xi32>
    %mul3A_909 = arith.muli %get3A_906, %mul3A_908 : vector<16xi32>
    %add3A_910 = arith.addi %mul3A_909, %get3A_903 : vector<16xi32>
    %add3A_911 = arith.constant 288 : i32
    %add3A_912 = vector.broadcast %add3A_911 : i32 to vector<16xi32>
    %add3A_913 = arith.addi %add3A_910, %add3A_912 : vector<16xi32>
    %shift_right_logical3A_914 = arith.constant 2 : i32
    %shift_right_logical3A_915 = vector.broadcast %shift_right_logical3A_914 : i32 to vector<16xi32>
    %shift_right_logical3A_916 = arith.shrui %add3A_913, %shift_right_logical3A_915 : vector<16xi32>
    %sub3A_917 = arith.constant 80 : i32
    %sub3A_918 = arith.subi %sub3A_917, %mul3A_6 : i32
    %add3A_919 = vector.broadcast %sub3A_918 : i32 to vector<16xi32>
    %add3A_920 = arith.addi %shift_right_logical3A_916, %add3A_919 : vector<16xi32>
    %ge3A_921 = arith.constant 0 : i32
    %ge3A_922 = vector.broadcast %ge3A_921 : i32 to vector<16xi32>
    %ge3A_923 = arith.cmpi sge, %add3A_920, %ge3A_922 : vector<16xi32>
    %lt3A_924 = arith.constant 9880 : i32
    %lt3A_925 = vector.broadcast %lt3A_924 : i32 to vector<16xi32>
    %lt3A_926 = arith.cmpi slt, %add3A_920, %lt3A_925 : vector<16xi32>
    %and3A_927 = arith.andi %ge3A_923, %lt3A_926 : vector<16xi1>
    %jit3A_928 = arith.constant 9880 : i32
    %broadcast_in_dim3A_929 = vector.broadcast %jit3A_928 : i32 to vector<16xi32>
    %select_n3A_930 = arith.select %and3A_927, %add3A_920, %broadcast_in_dim3A_929 : vector<16xi1>, vector<16xi32>
    %swap3A_931 = arith.constant 1 : i32
    %swap3A_932 = arith.index_cast %swap3A_931 : i32 to index
    %swap3A_933 = arith.constant 16 : index
    %swap3A_934 = tpu.vector_load %arg8[%swap3A_932, %swap3A_933] {strides = array<i32>} : memref<2x128xi32, #tpu.memory_space<vmem>>, vector<1x16xi32>,
    %swap3A_935 = vector.shape_cast %swap3A_934 : vector<1x16xi32> to vector<16xi32>
    %swap3A_936 = vector.shape_cast %select_n3A_930 : vector<16xi32> to vector<1x16xi32>
    tpu.vector_store %arg8[%swap3A_932, %swap3A_933], %swap3A_936 {strides = array<i32>} : memref<2x128xi32, #tpu.memory_space<vmem>>, vector<1x16xi32>,
    %get3A_937 = arith.constant 416 : index
    %get3A_938 = tpu.vector_load %arg9[%get3A_937] {strides = array<i32>} : memref<512xi32, #tpu.memory_space<vmem>>, vector<16xi32>,
    %get3A_939 = vector.shape_cast %get3A_938 : vector<16xi32> to vector<16xi32>
    %get3A_940 = arith.constant 416 : index
    %get3A_941 = tpu.vector_load %arg10[%get3A_940] {strides = array<i32>} : memref<512xi32, #tpu.memory_space<vmem>>, vector<16xi32>,
    %get3A_942 = vector.shape_cast %get3A_941 : vector<16xi32> to vector<16xi32>
    %mul3A_943 = arith.constant 288 : i32
    %mul3A_944 = vector.broadcast %mul3A_943 : i32 to vector<16xi32>
    %mul3A_945 = arith.muli %get3A_942, %mul3A_944 : vector<16xi32>
    %add3A_946 = arith.addi %mul3A_945, %get3A_939 : vector<16xi32>
    %add3A_947 = arith.constant 288 : i32
    %add3A_948 = vector.broadcast %add3A_947 : i32 to vector<16xi32>
    %add3A_949 = arith.addi %add3A_946, %add3A_948 : vector<16xi32>
    %shift_right_logical3A_950 = arith.constant 2 : i32
    %shift_right_logical3A_951 = vector.broadcast %shift_right_logical3A_950 : i32 to vector<16xi32>
    %shift_right_logical3A_952 = arith.shrui %add3A_949, %shift_right_logical3A_951 : vector<16xi32>
    %sub3A_953 = arith.constant 80 : i32
    %sub3A_954 = arith.subi %sub3A_953, %mul3A_6 : i32
    %add3A_955 = vector.broadcast %sub3A_954 : i32 to vector<16xi32>
    %add3A_956 = arith.addi %shift_right_logical3A_952, %add3A_955 : vector<16xi32>
    %ge3A_957 = arith.constant 0 : i32
    %ge3A_958 = vector.broadcast %ge3A_957 : i32 to vector<16xi32>
    %ge3A_959 = arith.cmpi sge, %add3A_956, %ge3A_958 : vector<16xi32>
    %lt3A_960 = arith.constant 9880 : i32
    %lt3A_961 = vector.broadcast %lt3A_960 : i32 to vector<16xi32>
    %lt3A_962 = arith.cmpi slt, %add3A_956, %lt3A_961 : vector<16xi32>
    %and3A_963 = arith.andi %ge3A_959, %lt3A_962 : vector<16xi1>
    %jit3A_964 = arith.constant 9880 : i32
    %broadcast_in_dim3A_965 = vector.broadcast %jit3A_964 : i32 to vector<16xi32>
    %select_n3A_966 = arith.select %and3A_963, %add3A_956, %broadcast_in_dim3A_965 : vector<16xi1>, vector<16xi32>
    %swap3A_967 = arith.constant 1 : i32
    %swap3A_968 = arith.index_cast %swap3A_967 : i32 to index
    %swap3A_969 = arith.constant 32 : index
    %swap3A_970 = tpu.vector_load %arg8[%swap3A_968, %swap3A_969] {strides = array<i32>} : memref<2x128xi32, #tpu.memory_space<vmem>>, vector<1x16xi32>,
    %swap3A_971 = vector.shape_cast %swap3A_970 : vector<1x16xi32> to vector<16xi32>
    %swap3A_972 = vector.shape_cast %select_n3A_966 : vector<16xi32> to vector<1x16xi32>
    tpu.vector_store %arg8[%swap3A_968, %swap3A_969], %swap3A_972 {strides = array<i32>} : memref<2x128xi32, #tpu.memory_space<vmem>>, vector<1x16xi32>,
    %get3A_973 = arith.constant 432 : index
    %get3A_974 = tpu.vector_load %arg9[%get3A_973] {strides = array<i32>} : memref<512xi32, #tpu.memory_space<vmem>>, vector<16xi32>,
    %get3A_975 = vector.shape_cast %get3A_974 : vector<16xi32> to vector<16xi32>
    %get3A_976 = arith.constant 432 : index
    %get3A_977 = tpu.vector_load %arg10[%get3A_976] {strides = array<i32>} : memref<512xi32, #tpu.memory_space<vmem>>, vector<16xi32>,
    %get3A_978 = vector.shape_cast %get3A_977 : vector<16xi32> to vector<16xi32>
    %mul3A_979 = arith.constant 288 : i32
    %mul3A_980 = vector.broadcast %mul3A_979 : i32 to vector<16xi32>
    %mul3A_981 = arith.muli %get3A_978, %mul3A_980 : vector<16xi32>
    %add3A_982 = arith.addi %mul3A_981, %get3A_975 : vector<16xi32>
    %add3A_983 = arith.constant 288 : i32
    %add3A_984 = vector.broadcast %add3A_983 : i32 to vector<16xi32>
    %add3A_985 = arith.addi %add3A_982, %add3A_984 : vector<16xi32>
    %shift_right_logical3A_986 = arith.constant 2 : i32
    %shift_right_logical3A_987 = vector.broadcast %shift_right_logical3A_986 : i32 to vector<16xi32>
    %shift_right_logical3A_988 = arith.shrui %add3A_985, %shift_right_logical3A_987 : vector<16xi32>
    %sub3A_989 = arith.constant 80 : i32
    %sub3A_990 = arith.subi %sub3A_989, %mul3A_6 : i32
    %add3A_991 = vector.broadcast %sub3A_990 : i32 to vector<16xi32>
    %add3A_992 = arith.addi %shift_right_logical3A_988, %add3A_991 : vector<16xi32>
    %ge3A_993 = arith.constant 0 : i32
    %ge3A_994 = vector.broadcast %ge3A_993 : i32 to vector<16xi32>
    %ge3A_995 = arith.cmpi sge, %add3A_992, %ge3A_994 : vector<16xi32>
    %lt3A_996 = arith.constant 9880 : i32
    %lt3A_997 = vector.broadcast %lt3A_996 : i32 to vector<16xi32>
    %lt3A_998 = arith.cmpi slt, %add3A_992, %lt3A_997 : vector<16xi32>
    %and3A_999 = arith.andi %ge3A_995, %lt3A_998 : vector<16xi1>
    %jit3A_1000 = arith.constant 9880 : i32
    %broadcast_in_dim3A_1001 = vector.broadcast %jit3A_1000 : i32 to vector<16xi32>
    %select_n3A_1002 = arith.select %and3A_999, %add3A_992, %broadcast_in_dim3A_1001 : vector<16xi1>, vector<16xi32>
    %swap3A_1003 = arith.constant 1 : i32
    %swap3A_1004 = arith.index_cast %swap3A_1003 : i32 to index
    %swap3A_1005 = arith.constant 48 : index
    %swap3A_1006 = tpu.vector_load %arg8[%swap3A_1004, %swap3A_1005] {strides = array<i32>} : memref<2x128xi32, #tpu.memory_space<vmem>>, vector<1x16xi32>,
    %swap3A_1007 = vector.shape_cast %swap3A_1006 : vector<1x16xi32> to vector<16xi32>
    %swap3A_1008 = vector.shape_cast %select_n3A_1002 : vector<16xi32> to vector<1x16xi32>
    tpu.vector_store %arg8[%swap3A_1004, %swap3A_1005], %swap3A_1008 {strides = array<i32>} : memref<2x128xi32, #tpu.memory_space<vmem>>, vector<1x16xi32>,
    %get3A_1009 = arith.constant 448 : index
    %get3A_1010 = tpu.vector_load %arg9[%get3A_1009] {strides = array<i32>} : memref<512xi32, #tpu.memory_space<vmem>>, vector<16xi32>,
    %get3A_1011 = vector.shape_cast %get3A_1010 : vector<16xi32> to vector<16xi32>
    %get3A_1012 = arith.constant 448 : index
    %get3A_1013 = tpu.vector_load %arg10[%get3A_1012] {strides = array<i32>} : memref<512xi32, #tpu.memory_space<vmem>>, vector<16xi32>,
    %get3A_1014 = vector.shape_cast %get3A_1013 : vector<16xi32> to vector<16xi32>
    %mul3A_1015 = arith.constant 288 : i32
    %mul3A_1016 = vector.broadcast %mul3A_1015 : i32 to vector<16xi32>
    %mul3A_1017 = arith.muli %get3A_1014, %mul3A_1016 : vector<16xi32>
    %add3A_1018 = arith.addi %mul3A_1017, %get3A_1011 : vector<16xi32>
    %add3A_1019 = arith.constant 288 : i32
    %add3A_1020 = vector.broadcast %add3A_1019 : i32 to vector<16xi32>
    %add3A_1021 = arith.addi %add3A_1018, %add3A_1020 : vector<16xi32>
    %shift_right_logical3A_1022 = arith.constant 2 : i32
    %shift_right_logical3A_1023 = vector.broadcast %shift_right_logical3A_1022 : i32 to vector<16xi32>
    %shift_right_logical3A_1024 = arith.shrui %add3A_1021, %shift_right_logical3A_1023 : vector<16xi32>
    %sub3A_1025 = arith.constant 80 : i32
    %sub3A_1026 = arith.subi %sub3A_1025, %mul3A_6 : i32
    %add3A_1027 = vector.broadcast %sub3A_1026 : i32 to vector<16xi32>
    %add3A_1028 = arith.addi %shift_right_logical3A_1024, %add3A_1027 : vector<16xi32>
    %ge3A_1029 = arith.constant 0 : i32
    %ge3A_1030 = vector.broadcast %ge3A_1029 : i32 to vector<16xi32>
    %ge3A_1031 = arith.cmpi sge, %add3A_1028, %ge3A_1030 : vector<16xi32>
    %lt3A_1032 = arith.constant 9880 : i32
    %lt3A_1033 = vector.broadcast %lt3A_1032 : i32 to vector<16xi32>
    %lt3A_1034 = arith.cmpi slt, %add3A_1028, %lt3A_1033 : vector<16xi32>
    %and3A_1035 = arith.andi %ge3A_1031, %lt3A_1034 : vector<16xi1>
    %jit3A_1036 = arith.constant 9880 : i32
    %broadcast_in_dim3A_1037 = vector.broadcast %jit3A_1036 : i32 to vector<16xi32>
    %select_n3A_1038 = arith.select %and3A_1035, %add3A_1028, %broadcast_in_dim3A_1037 : vector<16xi1>, vector<16xi32>
    %swap3A_1039 = arith.constant 1 : i32
    %swap3A_1040 = arith.index_cast %swap3A_1039 : i32 to index
    %swap3A_1041 = arith.constant 64 : index
    %swap3A_1042 = tpu.vector_load %arg8[%swap3A_1040, %swap3A_1041] {strides = array<i32>} : memref<2x128xi32, #tpu.memory_space<vmem>>, vector<1x16xi32>,
    %swap3A_1043 = vector.shape_cast %swap3A_1042 : vector<1x16xi32> to vector<16xi32>
    %swap3A_1044 = vector.shape_cast %select_n3A_1038 : vector<16xi32> to vector<1x16xi32>
    tpu.vector_store %arg8[%swap3A_1040, %swap3A_1041], %swap3A_1044 {strides = array<i32>} : memref<2x128xi32, #tpu.memory_space<vmem>>, vector<1x16xi32>,
    %get3A_1045 = arith.constant 464 : index
    %get3A_1046 = tpu.vector_load %arg9[%get3A_1045] {strides = array<i32>} : memref<512xi32, #tpu.memory_space<vmem>>, vector<16xi32>,
    %get3A_1047 = vector.shape_cast %get3A_1046 : vector<16xi32> to vector<16xi32>
    %get3A_1048 = arith.constant 464 : index
    %get3A_1049 = tpu.vector_load %arg10[%get3A_1048] {strides = array<i32>} : memref<512xi32, #tpu.memory_space<vmem>>, vector<16xi32>,
    %get3A_1050 = vector.shape_cast %get3A_1049 : vector<16xi32> to vector<16xi32>
    %mul3A_1051 = arith.constant 288 : i32
    %mul3A_1052 = vector.broadcast %mul3A_1051 : i32 to vector<16xi32>
    %mul3A_1053 = arith.muli %get3A_1050, %mul3A_1052 : vector<16xi32>
    %add3A_1054 = arith.addi %mul3A_1053, %get3A_1047 : vector<16xi32>
    %add3A_1055 = arith.constant 288 : i32
    %add3A_1056 = vector.broadcast %add3A_1055 : i32 to vector<16xi32>
    %add3A_1057 = arith.addi %add3A_1054, %add3A_1056 : vector<16xi32>
    %shift_right_logical3A_1058 = arith.constant 2 : i32
    %shift_right_logical3A_1059 = vector.broadcast %shift_right_logical3A_1058 : i32 to vector<16xi32>
    %shift_right_logical3A_1060 = arith.shrui %add3A_1057, %shift_right_logical3A_1059 : vector<16xi32>
    %sub3A_1061 = arith.constant 80 : i32
    %sub3A_1062 = arith.subi %sub3A_1061, %mul3A_6 : i32
    %add3A_1063 = vector.broadcast %sub3A_1062 : i32 to vector<16xi32>
    %add3A_1064 = arith.addi %shift_right_logical3A_1060, %add3A_1063 : vector<16xi32>
    %ge3A_1065 = arith.constant 0 : i32
    %ge3A_1066 = vector.broadcast %ge3A_1065 : i32 to vector<16xi32>
    %ge3A_1067 = arith.cmpi sge, %add3A_1064, %ge3A_1066 : vector<16xi32>
    %lt3A_1068 = arith.constant 9880 : i32
    %lt3A_1069 = vector.broadcast %lt3A_1068 : i32 to vector<16xi32>
    %lt3A_1070 = arith.cmpi slt, %add3A_1064, %lt3A_1069 : vector<16xi32>
    %and3A_1071 = arith.andi %ge3A_1067, %lt3A_1070 : vector<16xi1>
    %jit3A_1072 = arith.constant 9880 : i32
    %broadcast_in_dim3A_1073 = vector.broadcast %jit3A_1072 : i32 to vector<16xi32>
    %select_n3A_1074 = arith.select %and3A_1071, %add3A_1064, %broadcast_in_dim3A_1073 : vector<16xi1>, vector<16xi32>
    %swap3A_1075 = arith.constant 1 : i32
    %swap3A_1076 = arith.index_cast %swap3A_1075 : i32 to index
    %swap3A_1077 = arith.constant 80 : index
    %swap3A_1078 = tpu.vector_load %arg8[%swap3A_1076, %swap3A_1077] {strides = array<i32>} : memref<2x128xi32, #tpu.memory_space<vmem>>, vector<1x16xi32>,
    %swap3A_1079 = vector.shape_cast %swap3A_1078 : vector<1x16xi32> to vector<16xi32>
    %swap3A_1080 = vector.shape_cast %select_n3A_1074 : vector<16xi32> to vector<1x16xi32>
    tpu.vector_store %arg8[%swap3A_1076, %swap3A_1077], %swap3A_1080 {strides = array<i32>} : memref<2x128xi32, #tpu.memory_space<vmem>>, vector<1x16xi32>,
    %get3A_1081 = arith.constant 480 : index
    %get3A_1082 = tpu.vector_load %arg9[%get3A_1081] {strides = array<i32>} : memref<512xi32, #tpu.memory_space<vmem>>, vector<16xi32>,
    %get3A_1083 = vector.shape_cast %get3A_1082 : vector<16xi32> to vector<16xi32>
    %get3A_1084 = arith.constant 480 : index
    %get3A_1085 = tpu.vector_load %arg10[%get3A_1084] {strides = array<i32>} : memref<512xi32, #tpu.memory_space<vmem>>, vector<16xi32>,
    %get3A_1086 = vector.shape_cast %get3A_1085 : vector<16xi32> to vector<16xi32>
    %mul3A_1087 = arith.constant 288 : i32
    %mul3A_1088 = vector.broadcast %mul3A_1087 : i32 to vector<16xi32>
    %mul3A_1089 = arith.muli %get3A_1086, %mul3A_1088 : vector<16xi32>
    %add3A_1090 = arith.addi %mul3A_1089, %get3A_1083 : vector<16xi32>
    %add3A_1091 = arith.constant 288 : i32
    %add3A_1092 = vector.broadcast %add3A_1091 : i32 to vector<16xi32>
    %add3A_1093 = arith.addi %add3A_1090, %add3A_1092 : vector<16xi32>
    %shift_right_logical3A_1094 = arith.constant 2 : i32
    %shift_right_logical3A_1095 = vector.broadcast %shift_right_logical3A_1094 : i32 to vector<16xi32>
    %shift_right_logical3A_1096 = arith.shrui %add3A_1093, %shift_right_logical3A_1095 : vector<16xi32>
    %sub3A_1097 = arith.constant 80 : i32
    %sub3A_1098 = arith.subi %sub3A_1097, %mul3A_6 : i32
    %add3A_1099 = vector.broadcast %sub3A_1098 : i32 to vector<16xi32>
    %add3A_1100 = arith.addi %shift_right_logical3A_1096, %add3A_1099 : vector<16xi32>
    %ge3A_1101 = arith.constant 0 : i32
    %ge3A_1102 = vector.broadcast %ge3A_1101 : i32 to vector<16xi32>
    %ge3A_1103 = arith.cmpi sge, %add3A_1100, %ge3A_1102 : vector<16xi32>
    %lt3A_1104 = arith.constant 9880 : i32
    %lt3A_1105 = vector.broadcast %lt3A_1104 : i32 to vector<16xi32>
    %lt3A_1106 = arith.cmpi slt, %add3A_1100, %lt3A_1105 : vector<16xi32>
    %and3A_1107 = arith.andi %ge3A_1103, %lt3A_1106 : vector<16xi1>
    %jit3A_1108 = arith.constant 9880 : i32
    %broadcast_in_dim3A_1109 = vector.broadcast %jit3A_1108 : i32 to vector<16xi32>
    %select_n3A_1110 = arith.select %and3A_1107, %add3A_1100, %broadcast_in_dim3A_1109 : vector<16xi1>, vector<16xi32>
    %swap3A_1111 = arith.constant 1 : i32
    %swap3A_1112 = arith.index_cast %swap3A_1111 : i32 to index
    %swap3A_1113 = arith.constant 96 : index
    %swap3A_1114 = tpu.vector_load %arg8[%swap3A_1112, %swap3A_1113] {strides = array<i32>} : memref<2x128xi32, #tpu.memory_space<vmem>>, vector<1x16xi32>,
    %swap3A_1115 = vector.shape_cast %swap3A_1114 : vector<1x16xi32> to vector<16xi32>
    %swap3A_1116 = vector.shape_cast %select_n3A_1110 : vector<16xi32> to vector<1x16xi32>
    tpu.vector_store %arg8[%swap3A_1112, %swap3A_1113], %swap3A_1116 {strides = array<i32>} : memref<2x128xi32, #tpu.memory_space<vmem>>, vector<1x16xi32>,
    %get3A_1117 = arith.constant 496 : index
    %get3A_1118 = tpu.vector_load %arg9[%get3A_1117] {strides = array<i32>} : memref<512xi32, #tpu.memory_space<vmem>>, vector<16xi32>,
    %get3A_1119 = vector.shape_cast %get3A_1118 : vector<16xi32> to vector<16xi32>
    %get3A_1120 = arith.constant 496 : index
    %get3A_1121 = tpu.vector_load %arg10[%get3A_1120] {strides = array<i32>} : memref<512xi32, #tpu.memory_space<vmem>>, vector<16xi32>,
    %get3A_1122 = vector.shape_cast %get3A_1121 : vector<16xi32> to vector<16xi32>
    %mul3A_1123 = arith.constant 288 : i32
    %mul3A_1124 = vector.broadcast %mul3A_1123 : i32 to vector<16xi32>
    %mul3A_1125 = arith.muli %get3A_1122, %mul3A_1124 : vector<16xi32>
    %add3A_1126 = arith.addi %mul3A_1125, %get3A_1119 : vector<16xi32>
    %add3A_1127 = arith.constant 288 : i32
    %add3A_1128 = vector.broadcast %add3A_1127 : i32 to vector<16xi32>
    %add3A_1129 = arith.addi %add3A_1126, %add3A_1128 : vector<16xi32>
    %shift_right_logical3A_1130 = arith.constant 2 : i32
    %shift_right_logical3A_1131 = vector.broadcast %shift_right_logical3A_1130 : i32 to vector<16xi32>
    %shift_right_logical3A_1132 = arith.shrui %add3A_1129, %shift_right_logical3A_1131 : vector<16xi32>
    %sub3A_1133 = arith.constant 80 : i32
    %sub3A_1134 = arith.subi %sub3A_1133, %mul3A_6 : i32
    %add3A_1135 = vector.broadcast %sub3A_1134 : i32 to vector<16xi32>
    %add3A_1136 = arith.addi %shift_right_logical3A_1132, %add3A_1135 : vector<16xi32>
    %ge3A_1137 = arith.constant 0 : i32
    %ge3A_1138 = vector.broadcast %ge3A_1137 : i32 to vector<16xi32>
    %ge3A_1139 = arith.cmpi sge, %add3A_1136, %ge3A_1138 : vector<16xi32>
    %lt3A_1140 = arith.constant 9880 : i32
    %lt3A_1141 = vector.broadcast %lt3A_1140 : i32 to vector<16xi32>
    %lt3A_1142 = arith.cmpi slt, %add3A_1136, %lt3A_1141 : vector<16xi32>
    %and3A_1143 = arith.andi %ge3A_1139, %lt3A_1142 : vector<16xi1>
    %jit3A_1144 = arith.constant 9880 : i32
    %broadcast_in_dim3A_1145 = vector.broadcast %jit3A_1144 : i32 to vector<16xi32>
    %select_n3A_1146 = arith.select %and3A_1143, %add3A_1136, %broadcast_in_dim3A_1145 : vector<16xi1>, vector<16xi32>
    %swap3A_1147 = arith.constant 1 : i32
    %swap3A_1148 = arith.index_cast %swap3A_1147 : i32 to index
    %swap3A_1149 = arith.constant 112 : index
    %swap3A_1150 = tpu.vector_load %arg8[%swap3A_1148, %swap3A_1149] {strides = array<i32>} : memref<2x128xi32, #tpu.memory_space<vmem>>, vector<1x16xi32>,
    %swap3A_1151 = vector.shape_cast %swap3A_1150 : vector<1x16xi32> to vector<16xi32>
    %swap3A_1152 = vector.shape_cast %select_n3A_1146 : vector<16xi32> to vector<1x16xi32>
    tpu.vector_store %arg8[%swap3A_1148, %swap3A_1149], %swap3A_1152 {strides = array<i32>} : memref<2x128xi32, #tpu.memory_space<vmem>>, vector<1x16xi32>,
    %run_scoped3A_1153 = arith.constant 0 : i32
    "tpu.region"() ({
      %run_scoped3A_1168 = tpu.sem_alloc : memref<!tpu.dma_semaphore, #tpu.memory_space<semaphore_mem>>
      %dma_start3A = arith.constant 0 : i32
      %dma_start3A_1169 = arith.constant 0 : i32
      %dma_start3A_1170 = tpu.memref_slice %arg11[%dma_start3A, %dma_start3A_1169] : memref<256x128xf32, #tpu.memory_space<vmem>> -> memref<128x128xf32, #tpu.memory_space<vmem>>
      %dma_start3A_1171 = arith.constant 0 : i32
      %dma_start3A_1172 = tpu.memref_slice %arg8[%run_scoped3A_1153, %dma_start3A_1171] : memref<2x128xi32, #tpu.memory_space<vmem>> -> memref<1x128xi32, #tpu.memory_space<vmem>>
      %dma_start3A_1173 = tpu.memref_squeeze %dma_start3A_1172 : memref<1x128xi32, #tpu.memory_space<vmem>> -> memref<128xi32, #tpu.memory_space<vmem>>
      %dma_start3A_1174 = arith.constant 0 : i32
      %dma_start3A_1175 = arith.constant 0 : i32
      %dma_start3A_1176 = tpu.memref_slice %arg7[%dma_start3A_1174, %dma_start3A_1175] : memref<9881x128xf32, #tpu.memory_space<vmem_shared>> -> memref<9881x128xf32, #tpu.memory_space<vmem_shared>>
      tpu.enqueue_indirect_dma source(%dma_start3A_1170 : memref<128x128xf32, #tpu.memory_space<vmem>>) target(%dma_start3A_1176 : memref<9881x128xf32, #tpu.memory_space<vmem_shared>>) offsets(%dma_start3A_1173 : memref<128xi32, #tpu.memory_space<vmem>>) semaphore(%run_scoped3A_1168 : memref<!tpu.dma_semaphore, #tpu.memory_space<semaphore_mem>>) {add = true}
      %dma_wait3A = arith.constant 0 : i32
      %dma_wait3A_1177 = arith.constant 0 : i32
      %dma_wait3A_1178 = tpu.memref_slice %arg11[%dma_wait3A, %dma_wait3A_1177] : memref<256x128xf32, #tpu.memory_space<vmem>> -> memref<128x128xf32, #tpu.memory_space<vmem>>
      %dma_wait3A_1179 = arith.constant 0 : i32
      %dma_wait3A_1180 = tpu.memref_slice %arg8[%run_scoped3A_1153, %dma_wait3A_1179] : memref<2x128xi32, #tpu.memory_space<vmem>> -> memref<1x128xi32, #tpu.memory_space<vmem>>
      %dma_wait3A_1181 = tpu.memref_squeeze %dma_wait3A_1180 : memref<1x128xi32, #tpu.memory_space<vmem>> -> memref<128xi32, #tpu.memory_space<vmem>>
      %dma_wait3A_1182 = arith.constant 0 : i32
      %dma_wait3A_1183 = arith.constant 0 : i32
      %dma_wait3A_1184 = tpu.memref_slice %arg7[%dma_wait3A_1182, %dma_wait3A_1183] : memref<9881x128xf32, #tpu.memory_space<vmem_shared>> -> memref<9881x128xf32, #tpu.memory_space<vmem_shared>>
      tpu.wait_indirect_dma semaphore(%run_scoped3A_1168 : memref<!tpu.dma_semaphore, #tpu.memory_space<semaphore_mem>>) src(%dma_wait3A_1178 : memref<128x128xf32, #tpu.memory_space<vmem>>) dst(%dma_wait3A_1184 : memref<9881x128xf32, #tpu.memory_space<vmem_shared>>)
      tpu.yield
    }) : () -> ()
    %run_scoped3A_1154 = arith.constant 1 : i32
    "tpu.region"() ({
      %run_scoped3A_1168 = tpu.sem_alloc : memref<!tpu.dma_semaphore, #tpu.memory_space<semaphore_mem>>
      %dma_start3A = arith.constant 128 : i32
      %dma_start3A_1169 = arith.constant 0 : i32
      %dma_start3A_1170 = tpu.memref_slice %arg11[%dma_start3A, %dma_start3A_1169] : memref<256x128xf32, #tpu.memory_space<vmem>> -> memref<128x128xf32, #tpu.memory_space<vmem>>
      %dma_start3A_1171 = arith.constant 0 : i32
      %dma_start3A_1172 = tpu.memref_slice %arg8[%run_scoped3A_1154, %dma_start3A_1171] : memref<2x128xi32, #tpu.memory_space<vmem>> -> memref<1x128xi32, #tpu.memory_space<vmem>>
      %dma_start3A_1173 = tpu.memref_squeeze %dma_start3A_1172 : memref<1x128xi32, #tpu.memory_space<vmem>> -> memref<128xi32, #tpu.memory_space<vmem>>
      %dma_start3A_1174 = arith.constant 0 : i32
      %dma_start3A_1175 = arith.constant 0 : i32
      %dma_start3A_1176 = tpu.memref_slice %arg7[%dma_start3A_1174, %dma_start3A_1175] : memref<9881x128xf32, #tpu.memory_space<vmem_shared>> -> memref<9881x128xf32, #tpu.memory_space<vmem_shared>>
      tpu.enqueue_indirect_dma source(%dma_start3A_1170 : memref<128x128xf32, #tpu.memory_space<vmem>>) target(%dma_start3A_1176 : memref<9881x128xf32, #tpu.memory_space<vmem_shared>>) offsets(%dma_start3A_1173 : memref<128xi32, #tpu.memory_space<vmem>>) semaphore(%run_scoped3A_1168 : memref<!tpu.dma_semaphore, #tpu.memory_space<semaphore_mem>>) {add = true}
      %dma_wait3A = arith.constant 128 : i32
      %dma_wait3A_1177 = arith.constant 0 : i32
      %dma_wait3A_1178 = tpu.memref_slice %arg11[%dma_wait3A, %dma_wait3A_1177] : memref<256x128xf32, #tpu.memory_space<vmem>> -> memref<128x128xf32, #tpu.memory_space<vmem>>
      %dma_wait3A_1179 = arith.constant 0 : i32
      %dma_wait3A_1180 = tpu.memref_slice %arg8[%run_scoped3A_1154, %dma_wait3A_1179] : memref<2x128xi32, #tpu.memory_space<vmem>> -> memref<1x128xi32, #tpu.memory_space<vmem>>
      %dma_wait3A_1181 = tpu.memref_squeeze %dma_wait3A_1180 : memref<1x128xi32, #tpu.memory_space<vmem>> -> memref<128xi32, #tpu.memory_space<vmem>>
      %dma_wait3A_1182 = arith.constant 0 : i32
      %dma_wait3A_1183 = arith.constant 0 : i32
      %dma_wait3A_1184 = tpu.memref_slice %arg7[%dma_wait3A_1182, %dma_wait3A_1183] : memref<9881x128xf32, #tpu.memory_space<vmem_shared>> -> memref<9881x128xf32, #tpu.memory_space<vmem_shared>>
      tpu.wait_indirect_dma semaphore(%run_scoped3A_1168 : memref<!tpu.dma_semaphore, #tpu.memory_space<semaphore_mem>>) src(%dma_wait3A_1178 : memref<128x128xf32, #tpu.memory_space<vmem>>) dst(%dma_wait3A_1184 : memref<9881x128xf32, #tpu.memory_space<vmem_shared>>)
      tpu.yield
    }) : () -> ()
    %barrier3A_1155 = arith.constant 0 : index
    tpu.barrier barrier_id(%barrier3A_1155)
    %mul3A_1156 = arith.constant 9880 : i32
    %mul3A_1157 = arith.muli %arg0, %mul3A_1156 : i32
    %mul3A_1158 = arith.constant 616 : i32
    %mul3A_1159 = arith.muli %arg1, %mul3A_1158 : i32
    %add3A_1160 = arith.addi %mul3A_1157, %mul3A_1159 : i32
    %mul3A_1161 = arith.constant 616 : i32
    %mul3A_1162 = arith.muli %arg1, %mul3A_1161 : i32
    "tpu.region"() ({
      %run_scoped3A_1168 = tpu.sem_alloc : memref<!tpu.dma_semaphore, #tpu.memory_space<semaphore_mem>>
      %dma_start3A = arith.constant 0 : i32
      %dma_start3A_1169 = tpu.memref_slice %arg6[%add3A_1160, %dma_start3A] : memref<19760x128xf32, #tpu.memory_space<hbm>> -> memref<616x128xf32, #tpu.memory_space<hbm>>
      %dma_start3A_1170 = arith.constant 0 : i32
      %dma_start3A_1171 = tpu.memref_slice %arg7[%mul3A_1162, %dma_start3A_1170] : memref<9881x128xf32, #tpu.memory_space<vmem_shared>> -> memref<616x128xf32, #tpu.memory_space<vmem_shared>>
      tpu.enqueue_dma source(%dma_start3A_1171 : memref<616x128xf32, #tpu.memory_space<vmem_shared>>) target(%dma_start3A_1169 : memref<616x128xf32, #tpu.memory_space<hbm>>) target_semaphore(%run_scoped3A_1168 : memref<!tpu.dma_semaphore, #tpu.memory_space<semaphore_mem>>)
      %dma_wait3A = arith.constant 0 : i32
      %dma_wait3A_1172 = tpu.memref_slice %arg6[%add3A_1160, %dma_wait3A] : memref<19760x128xf32, #tpu.memory_space<hbm>> -> memref<616x128xf32, #tpu.memory_space<hbm>>
      %dma_wait3A_1173 = arith.constant 0 : i32
      %dma_wait3A_1174 = tpu.memref_slice %arg7[%mul3A_1162, %dma_wait3A_1173] : memref<9881x128xf32, #tpu.memory_space<vmem_shared>> -> memref<616x128xf32, #tpu.memory_space<vmem_shared>>
      tpu.wait_dma2 semaphore(%run_scoped3A_1168 : memref<!tpu.dma_semaphore, #tpu.memory_space<semaphore_mem>>) src(%dma_wait3A_1174 : memref<616x128xf32, #tpu.memory_space<vmem_shared>>) dst(%dma_wait3A_1172 : memref<616x128xf32, #tpu.memory_space<hbm>>)
      tpu.yield
    }) : () -> ()
    %eq3A_1163 = arith.constant 0 : i32
    %eq3A_1164 = arith.cmpi eq, %arg1, %eq3A_1163 : i32
    %convert_element_type3A_1165 = arith.extui %eq3A_1164 : i1 to i32
    %cond3A_1166 = arith.constant 0 : i32
    %cond3A_1167 = arith.cmpi ne, %convert_element_type3A_1165, %cond3A_1166 : i32
    scf.if %cond3A_1167 {
      %mul3A_1168 = arith.constant 9880 : i32
      %mul3A_1169 = arith.muli %arg0, %mul3A_1168 : i32
      %add3A_1170 = arith.constant 9856 : i32
      %add3A_1171 = arith.addi %mul3A_1169, %add3A_1170 : i32
      "tpu.region"() ({
        %run_scoped3A_1172 = tpu.sem_alloc : memref<!tpu.dma_semaphore, #tpu.memory_space<semaphore_mem>>
        %dma_start3A = arith.constant 0 : i32
        %dma_start3A_1173 = tpu.memref_slice %arg6[%add3A_1171, %dma_start3A] : memref<19760x128xf32, #tpu.memory_space<hbm>> -> memref<24x128xf32, #tpu.memory_space<hbm>>
        %dma_start3A_1174 = arith.constant 9856 : i32
        %dma_start3A_1175 = arith.constant 0 : i32
        %dma_start3A_1176 = tpu.memref_slice %arg7[%dma_start3A_1174, %dma_start3A_1175] : memref<9881x128xf32, #tpu.memory_space<vmem_shared>> -> memref<24x128xf32, #tpu.memory_space<vmem_shared>>
        tpu.enqueue_dma source(%dma_start3A_1176 : memref<24x128xf32, #tpu.memory_space<vmem_shared>>) target(%dma_start3A_1173 : memref<24x128xf32, #tpu.memory_space<hbm>>) target_semaphore(%run_scoped3A_1172 : memref<!tpu.dma_semaphore, #tpu.memory_space<semaphore_mem>>)
        %dma_wait3A = arith.constant 0 : i32
        %dma_wait3A_1177 = tpu.memref_slice %arg6[%add3A_1171, %dma_wait3A] : memref<19760x128xf32, #tpu.memory_space<hbm>> -> memref<24x128xf32, #tpu.memory_space<hbm>>
        %dma_wait3A_1178 = arith.constant 9856 : i32
        %dma_wait3A_1179 = arith.constant 0 : i32
        %dma_wait3A_1180 = tpu.memref_slice %arg7[%dma_wait3A_1178, %dma_wait3A_1179] : memref<9881x128xf32, #tpu.memory_space<vmem_shared>> -> memref<24x128xf32, #tpu.memory_space<vmem_shared>>
        tpu.wait_dma2 semaphore(%run_scoped3A_1172 : memref<!tpu.dma_semaphore, #tpu.memory_space<semaphore_mem>>) src(%dma_wait3A_1180 : memref<24x128xf32, #tpu.memory_space<vmem_shared>>) dst(%dma_wait3A_1177 : memref<24x128xf32, #tpu.memory_space<hbm>>)
        tpu.yield
      }) : () -> ()
    } else {
    }
    return
  }
}

module attributes {stable_mosaic.version = 14 : i64} {
  func.func @_mlp_body(%arg0: i32, %arg1: memref<1024x128xf32, #tpu.memory_space<vmem>>, %arg2: memref<1024x1xi32, #tpu.memory_space<vmem>>, %arg3: memref<1024x1xi32, #tpu.memory_space<vmem>>, %arg4: memref<32x128xf32, #tpu.memory_space<vmem>>, %arg5: memref<1x128xf32, #tpu.memory_space<vmem>>, %arg6: memref<1x128xf32, #tpu.memory_space<vmem>>, %arg7: memref<128x128xf32, #tpu.memory_space<vmem>>, %arg8: memref<1x128xf32, #tpu.memory_space<vmem>>, %arg9: memref<1x128xf32, #tpu.memory_space<vmem>>, %arg10: memref<1x128xf32, #tpu.memory_space<vmem>>, %arg11: memref<128x64xf32, #tpu.memory_space<vmem>>, %arg12: memref<1x64xf32, #tpu.memory_space<vmem>>, %arg13: memref<1x64xf32, #tpu.memory_space<vmem>>, %arg14: memref<1x64xf32, #tpu.memory_space<vmem>>, %arg15: memref<64x32xf32, #tpu.memory_space<vmem>>, %arg16: memref<1x32xf32, #tpu.memory_space<vmem>>, %arg17: memref<1024x128xf32, #tpu.memory_space<vmem>>) attributes {dimension_semantics = [#tpu.dimension_semantics<arbitrary>], iteration_bounds = array<i64: 8>, scalar_prefetch = 0 : i64, scratch_operands = 0 : i64, tpu.core_type = #tpu.core_type<tc>, window_params = [{transform_indices = @transform_0, window_bounds = array<i64: 1024, 128>}, {transform_indices = @transform_1, window_bounds = array<i64: 1024, 1>}, {transform_indices = @transform_2, window_bounds = array<i64: 1024, 1>}, {pipeline_mode = #tpu.pipeline_mode<synchronous>, transform_indices = @transform_3, window_bounds = array<i64: 32, 128>}, {pipeline_mode = #tpu.pipeline_mode<synchronous>, transform_indices = @transform_4, window_bounds = array<i64: 1, 128>}, {pipeline_mode = #tpu.pipeline_mode<synchronous>, transform_indices = @transform_5, window_bounds = array<i64: 1, 128>}, {pipeline_mode = #tpu.pipeline_mode<synchronous>, transform_indices = @transform_6, window_bounds = array<i64: 128, 128>}, {pipeline_mode = #tpu.pipeline_mode<synchronous>, transform_indices = @transform_7, window_bounds = array<i64: 1, 128>}, {pipeline_mode = #tpu.pipeline_mode<synchronous>, transform_indices = @transform_8, window_bounds = array<i64: 1, 128>}, {pipeline_mode = #tpu.pipeline_mode<synchronous>, transform_indices = @transform_9, window_bounds = array<i64: 1, 128>}, {pipeline_mode = #tpu.pipeline_mode<synchronous>, transform_indices = @transform_10, window_bounds = array<i64: 128, 64>}, {pipeline_mode = #tpu.pipeline_mode<synchronous>, transform_indices = @transform_11, window_bounds = array<i64: 1, 64>}, {pipeline_mode = #tpu.pipeline_mode<synchronous>, transform_indices = @transform_12, window_bounds = array<i64: 1, 64>}, {pipeline_mode = #tpu.pipeline_mode<synchronous>, transform_indices = @transform_13, window_bounds = array<i64: 1, 64>}, {pipeline_mode = #tpu.pipeline_mode<synchronous>, transform_indices = @transform_14, window_bounds = array<i64: 64, 32>}, {pipeline_mode = #tpu.pipeline_mode<synchronous>, transform_indices = @transform_15, window_bounds = array<i64: 1, 32>}, {transform_indices = @transform_16, window_bounds = array<i64: 1024, 128>}]} {
    %get3A = arith.constant 0 : index
    %get3A_0 = arith.constant 0 : index
    %get3A_1 = vector.load %arg1[%get3A, %get3A_0] : memref<1024x128xf32, #tpu.memory_space<vmem>>, vector<1024x128xf32>
    %get3A_2 = arith.constant 0 : index
    %get3A_3 = arith.constant 0 : index
    %get3A_4 = vector.load %arg5[%get3A_2, %get3A_3] : memref<1x128xf32, #tpu.memory_space<vmem>>, vector<1x128xf32>
    %get3A_5 = arith.constant 0 : index
    %get3A_6 = arith.constant 0 : index
    %get3A_7 = vector.load %arg6[%get3A_5, %get3A_6] : memref<1x128xf32, #tpu.memory_space<vmem>>, vector<1x128xf32>
    %reduce_sum3A = arith.constant dense<0.000000e+00> : vector<1024xf32>
    %reduce_sum3A_8 = vector.multi_reduction <add>, %get3A_1, %reduce_sum3A [1] : vector<1024x128xf32> to vector<1024xf32>
    %broadcast_in_dim3A = vector.shape_cast %reduce_sum3A_8 : vector<1024xf32> to vector<1024x1xf32>
    %div3A = arith.constant 1.280000e+02 : f32
    %div3A_9 = vector.broadcast %div3A : f32 to vector<1024x1xf32>
    %div3A_10 = arith.divf %broadcast_in_dim3A, %div3A_9 : vector<1024x1xf32>
    %jit3A = arith.constant 0 : i32
    %reduce_sum3A_11 = arith.constant dense<0.000000e+00> : vector<1024xf32>
    %reduce_sum3A_12 = vector.multi_reduction <add>, %get3A_1, %reduce_sum3A_11 [1] : vector<1024x128xf32> to vector<1024xf32>
    %broadcast_in_dim3A_13 = vector.shape_cast %reduce_sum3A_12 : vector<1024xf32> to vector<1024x1xf32>
    %div3A_14 = arith.constant 1.280000e+02 : f32
    %div3A_15 = vector.broadcast %div3A_14 : f32 to vector<1024x1xf32>
    %div3A_16 = arith.divf %broadcast_in_dim3A_13, %div3A_15 : vector<1024x1xf32>
    %sub3A = vector.broadcast %div3A_16 : vector<1024x1xf32> to vector<1024x128xf32>
    %sub3A_17 = arith.subf %get3A_1, %sub3A : vector<1024x128xf32>
    %square3A = arith.mulf %sub3A_17, %sub3A_17 : vector<1024x128xf32>
    %convert_element_type3A = arith.sitofp %jit3A : i32 to f32
    %sub3A_18 = arith.constant 1.280000e+02 : f32
    %sub3A_19 = arith.subf %sub3A_18, %convert_element_type3A : f32
    %reduce_sum3A_20 = arith.constant dense<0.000000e+00> : vector<1024xf32>
    %reduce_sum3A_21 = vector.multi_reduction <add>, %square3A, %reduce_sum3A_20 [1] : vector<1024x128xf32> to vector<1024xf32>
    %broadcast_in_dim3A_22 = vector.shape_cast %reduce_sum3A_21 : vector<1024xf32> to vector<1024x1xf32>
    %div3A_23 = vector.broadcast %sub3A_19 : f32 to vector<1024x1xf32>
    %div3A_24 = arith.divf %broadcast_in_dim3A_22, %div3A_23 : vector<1024x1xf32>
    %gt3A = arith.constant 0.000000e+00 : f32
    %gt3A_25 = arith.cmpf ogt, %sub3A_19, %gt3A : f32
    %jit3A_26 = arith.constant 0x7FC00000 : f32
    %broadcast_in_dim3A_27 = vector.broadcast %jit3A_26 : f32 to vector<1024x1xf32>
    %select_n3A = arith.select %gt3A_25, %div3A_24, %broadcast_in_dim3A_27 : vector<1024x1xf32>
    %sub3A_28 = vector.broadcast %div3A_10 : vector<1024x1xf32> to vector<1024x128xf32>
    %sub3A_29 = arith.subf %get3A_1, %sub3A_28 : vector<1024x128xf32>
    %add3A = arith.constant 9.99999997E-7 : f32
    %add3A_30 = vector.broadcast %add3A : f32 to vector<1024x1xf32>
    %add3A_31 = arith.addf %select_n3A, %add3A_30 : vector<1024x1xf32>
    %sqrt3A = math.sqrt %add3A_31 : vector<1024x1xf32>
    %div3A_32 = vector.broadcast %sqrt3A : vector<1024x1xf32> to vector<1024x128xf32>
    %div3A_33 = arith.divf %sub3A_29, %div3A_32 : vector<1024x128xf32>
    %mul3A = vector.broadcast %get3A_4 : vector<1x128xf32> to vector<1024x128xf32>
    %mul3A_34 = arith.mulf %div3A_33, %mul3A : vector<1024x128xf32>
    %add3A_35 = vector.broadcast %get3A_7 : vector<1x128xf32> to vector<1024x128xf32>
    %add3A_36 = arith.addf %mul3A_34, %add3A_35 : vector<1024x128xf32>
    %max3A = arith.constant 0.000000e+00 : f32
    %max3A_37 = vector.broadcast %max3A : f32 to vector<1024x128xf32>
    %max3A_38 = arith.maximumf %add3A_36, %max3A_37 : vector<1024x128xf32>
    %get3A_39 = arith.constant 0 : index
    %get3A_40 = arith.constant 0 : index
    %get3A_41 = vector.load %arg7[%get3A_39, %get3A_40] : memref<128x128xf32, #tpu.memory_space<vmem>>, vector<128x128xf32>
    %dot_general3A = arith.constant dense<0.000000e+00> : vector<1024x128xf32>
    %dot_general3A_42 = tpu.matmul %max3A_38, %get3A_41, %dot_general3A {dimension_numbers = #tpu.dot_dimension_numbers<[1], [0], [0], [1], [0, 0, 1, 1], [], []>, transpose_lhs_hint = false} : vector<1024x128xf32>, vector<128x128xf32>, vector<1024x128xf32> -> vector<1024x128xf32>
    %get3A_43 = arith.constant 0 : index
    %get3A_44 = arith.constant 0 : index
    %get3A_45 = vector.load %arg8[%get3A_43, %get3A_44] : memref<1x128xf32, #tpu.memory_space<vmem>>, vector<1x128xf32>
    %add3A_46 = vector.broadcast %get3A_45 : vector<1x128xf32> to vector<1024x128xf32>
    %add3A_47 = arith.addf %dot_general3A_42, %add3A_46 : vector<1024x128xf32>
    %get3A_48 = arith.constant 0 : index
    %get3A_49 = arith.constant 0 : index
    %get3A_50 = vector.load %arg9[%get3A_48, %get3A_49] : memref<1x128xf32, #tpu.memory_space<vmem>>, vector<1x128xf32>
    %get3A_51 = arith.constant 0 : index
    %get3A_52 = arith.constant 0 : index
    %get3A_53 = vector.load %arg10[%get3A_51, %get3A_52] : memref<1x128xf32, #tpu.memory_space<vmem>>, vector<1x128xf32>
    %reduce_sum3A_54 = arith.constant dense<0.000000e+00> : vector<1024xf32>
    %reduce_sum3A_55 = vector.multi_reduction <add>, %add3A_47, %reduce_sum3A_54 [1] : vector<1024x128xf32> to vector<1024xf32>
    %broadcast_in_dim3A_56 = vector.shape_cast %reduce_sum3A_55 : vector<1024xf32> to vector<1024x1xf32>
    %div3A_57 = arith.constant 1.280000e+02 : f32
    %div3A_58 = vector.broadcast %div3A_57 : f32 to vector<1024x1xf32>
    %div3A_59 = arith.divf %broadcast_in_dim3A_56, %div3A_58 : vector<1024x1xf32>
    %jit3A_60 = arith.constant 0 : i32
    %reduce_sum3A_61 = arith.constant dense<0.000000e+00> : vector<1024xf32>
    %reduce_sum3A_62 = vector.multi_reduction <add>, %add3A_47, %reduce_sum3A_61 [1] : vector<1024x128xf32> to vector<1024xf32>
    %broadcast_in_dim3A_63 = vector.shape_cast %reduce_sum3A_62 : vector<1024xf32> to vector<1024x1xf32>
    %div3A_64 = arith.constant 1.280000e+02 : f32
    %div3A_65 = vector.broadcast %div3A_64 : f32 to vector<1024x1xf32>
    %div3A_66 = arith.divf %broadcast_in_dim3A_63, %div3A_65 : vector<1024x1xf32>
    %sub3A_67 = vector.broadcast %div3A_66 : vector<1024x1xf32> to vector<1024x128xf32>
    %sub3A_68 = arith.subf %add3A_47, %sub3A_67 : vector<1024x128xf32>
    %square3A_69 = arith.mulf %sub3A_68, %sub3A_68 : vector<1024x128xf32>
    %convert_element_type3A_70 = arith.sitofp %jit3A_60 : i32 to f32
    %sub3A_71 = arith.constant 1.280000e+02 : f32
    %sub3A_72 = arith.subf %sub3A_71, %convert_element_type3A_70 : f32
    %reduce_sum3A_73 = arith.constant dense<0.000000e+00> : vector<1024xf32>
    %reduce_sum3A_74 = vector.multi_reduction <add>, %square3A_69, %reduce_sum3A_73 [1] : vector<1024x128xf32> to vector<1024xf32>
    %broadcast_in_dim3A_75 = vector.shape_cast %reduce_sum3A_74 : vector<1024xf32> to vector<1024x1xf32>
    %div3A_76 = vector.broadcast %sub3A_72 : f32 to vector<1024x1xf32>
    %div3A_77 = arith.divf %broadcast_in_dim3A_75, %div3A_76 : vector<1024x1xf32>
    %gt3A_78 = arith.constant 0.000000e+00 : f32
    %gt3A_79 = arith.cmpf ogt, %sub3A_72, %gt3A_78 : f32
    %jit3A_80 = arith.constant 0x7FC00000 : f32
    %broadcast_in_dim3A_81 = vector.broadcast %jit3A_80 : f32 to vector<1024x1xf32>
    %select_n3A_82 = arith.select %gt3A_79, %div3A_77, %broadcast_in_dim3A_81 : vector<1024x1xf32>
    %sub3A_83 = vector.broadcast %div3A_59 : vector<1024x1xf32> to vector<1024x128xf32>
    %sub3A_84 = arith.subf %add3A_47, %sub3A_83 : vector<1024x128xf32>
    %add3A_85 = arith.constant 9.99999997E-7 : f32
    %add3A_86 = vector.broadcast %add3A_85 : f32 to vector<1024x1xf32>
    %add3A_87 = arith.addf %select_n3A_82, %add3A_86 : vector<1024x1xf32>
    %sqrt3A_88 = math.sqrt %add3A_87 : vector<1024x1xf32>
    %div3A_89 = vector.broadcast %sqrt3A_88 : vector<1024x1xf32> to vector<1024x128xf32>
    %div3A_90 = arith.divf %sub3A_84, %div3A_89 : vector<1024x128xf32>
    %mul3A_91 = vector.broadcast %get3A_50 : vector<1x128xf32> to vector<1024x128xf32>
    %mul3A_92 = arith.mulf %div3A_90, %mul3A_91 : vector<1024x128xf32>
    %add3A_93 = vector.broadcast %get3A_53 : vector<1x128xf32> to vector<1024x128xf32>
    %add3A_94 = arith.addf %mul3A_92, %add3A_93 : vector<1024x128xf32>
    %max3A_95 = arith.constant 0.000000e+00 : f32
    %max3A_96 = vector.broadcast %max3A_95 : f32 to vector<1024x128xf32>
    %max3A_97 = arith.maximumf %add3A_94, %max3A_96 : vector<1024x128xf32>
    %get3A_98 = arith.constant 0 : index
    %get3A_99 = arith.constant 0 : index
    %get3A_100 = vector.load %arg11[%get3A_98, %get3A_99] : memref<128x64xf32, #tpu.memory_space<vmem>>, vector<128x64xf32>
    %dot_general3A_101 = arith.constant dense<0.000000e+00> : vector<1024x64xf32>
    %dot_general3A_102 = tpu.matmul %max3A_97, %get3A_100, %dot_general3A_101 {dimension_numbers = #tpu.dot_dimension_numbers<[1], [0], [0], [1], [0, 0, 1, 1], [], []>, transpose_lhs_hint = false} : vector<1024x128xf32>, vector<128x64xf32>, vector<1024x64xf32> -> vector<1024x64xf32>
    %get3A_103 = arith.constant 0 : index
    %get3A_104 = arith.constant 0 : index
    %get3A_105 = vector.load %arg12[%get3A_103, %get3A_104] : memref<1x64xf32, #tpu.memory_space<vmem>>, vector<1x64xf32>
    %add3A_106 = vector.broadcast %get3A_105 : vector<1x64xf32> to vector<1024x64xf32>
    %add3A_107 = arith.addf %dot_general3A_102, %add3A_106 : vector<1024x64xf32>
    %get3A_108 = arith.constant 0 : index
    %get3A_109 = arith.constant 0 : index
    %get3A_110 = vector.load %arg13[%get3A_108, %get3A_109] : memref<1x64xf32, #tpu.memory_space<vmem>>, vector<1x64xf32>
    %get3A_111 = arith.constant 0 : index
    %get3A_112 = arith.constant 0 : index
    %get3A_113 = vector.load %arg14[%get3A_111, %get3A_112] : memref<1x64xf32, #tpu.memory_space<vmem>>, vector<1x64xf32>
    %reduce_sum3A_114 = arith.constant dense<0.000000e+00> : vector<1024xf32>
    %reduce_sum3A_115 = vector.multi_reduction <add>, %add3A_107, %reduce_sum3A_114 [1] : vector<1024x64xf32> to vector<1024xf32>
    %broadcast_in_dim3A_116 = vector.shape_cast %reduce_sum3A_115 : vector<1024xf32> to vector<1024x1xf32>
    %div3A_117 = arith.constant 6.400000e+01 : f32
    %div3A_118 = vector.broadcast %div3A_117 : f32 to vector<1024x1xf32>
    %div3A_119 = arith.divf %broadcast_in_dim3A_116, %div3A_118 : vector<1024x1xf32>
    %jit3A_120 = arith.constant 0 : i32
    %reduce_sum3A_121 = arith.constant dense<0.000000e+00> : vector<1024xf32>
    %reduce_sum3A_122 = vector.multi_reduction <add>, %add3A_107, %reduce_sum3A_121 [1] : vector<1024x64xf32> to vector<1024xf32>
    %broadcast_in_dim3A_123 = vector.shape_cast %reduce_sum3A_122 : vector<1024xf32> to vector<1024x1xf32>
    %div3A_124 = arith.constant 6.400000e+01 : f32
    %div3A_125 = vector.broadcast %div3A_124 : f32 to vector<1024x1xf32>
    %div3A_126 = arith.divf %broadcast_in_dim3A_123, %div3A_125 : vector<1024x1xf32>
    %sub3A_127 = vector.broadcast %div3A_126 : vector<1024x1xf32> to vector<1024x64xf32>
    %sub3A_128 = arith.subf %add3A_107, %sub3A_127 : vector<1024x64xf32>
    %square3A_129 = arith.mulf %sub3A_128, %sub3A_128 : vector<1024x64xf32>
    %convert_element_type3A_130 = arith.sitofp %jit3A_120 : i32 to f32
    %sub3A_131 = arith.constant 6.400000e+01 : f32
    %sub3A_132 = arith.subf %sub3A_131, %convert_element_type3A_130 : f32
    %reduce_sum3A_133 = arith.constant dense<0.000000e+00> : vector<1024xf32>
    %reduce_sum3A_134 = vector.multi_reduction <add>, %square3A_129, %reduce_sum3A_133 [1] : vector<1024x64xf32> to vector<1024xf32>
    %broadcast_in_dim3A_135 = vector.shape_cast %reduce_sum3A_134 : vector<1024xf32> to vector<1024x1xf32>
    %div3A_136 = vector.broadcast %sub3A_132 : f32 to vector<1024x1xf32>
    %div3A_137 = arith.divf %broadcast_in_dim3A_135, %div3A_136 : vector<1024x1xf32>
    %gt3A_138 = arith.constant 0.000000e+00 : f32
    %gt3A_139 = arith.cmpf ogt, %sub3A_132, %gt3A_138 : f32
    %jit3A_140 = arith.constant 0x7FC00000 : f32
    %broadcast_in_dim3A_141 = vector.broadcast %jit3A_140 : f32 to vector<1024x1xf32>
    %select_n3A_142 = arith.select %gt3A_139, %div3A_137, %broadcast_in_dim3A_141 : vector<1024x1xf32>
    %sub3A_143 = vector.broadcast %div3A_119 : vector<1024x1xf32> to vector<1024x64xf32>
    %sub3A_144 = arith.subf %add3A_107, %sub3A_143 : vector<1024x64xf32>
    %add3A_145 = arith.constant 9.99999997E-7 : f32
    %add3A_146 = vector.broadcast %add3A_145 : f32 to vector<1024x1xf32>
    %add3A_147 = arith.addf %select_n3A_142, %add3A_146 : vector<1024x1xf32>
    %sqrt3A_148 = math.sqrt %add3A_147 : vector<1024x1xf32>
    %div3A_149 = vector.broadcast %sqrt3A_148 : vector<1024x1xf32> to vector<1024x64xf32>
    %div3A_150 = arith.divf %sub3A_144, %div3A_149 : vector<1024x64xf32>
    %mul3A_151 = vector.broadcast %get3A_110 : vector<1x64xf32> to vector<1024x64xf32>
    %mul3A_152 = arith.mulf %div3A_150, %mul3A_151 : vector<1024x64xf32>
    %add3A_153 = vector.broadcast %get3A_113 : vector<1x64xf32> to vector<1024x64xf32>
    %add3A_154 = arith.addf %mul3A_152, %add3A_153 : vector<1024x64xf32>
    %max3A_155 = arith.constant 0.000000e+00 : f32
    %max3A_156 = vector.broadcast %max3A_155 : f32 to vector<1024x64xf32>
    %max3A_157 = arith.maximumf %add3A_154, %max3A_156 : vector<1024x64xf32>
    %get3A_158 = arith.constant 0 : index
    %get3A_159 = arith.constant 0 : index
    %get3A_160 = vector.load %arg15[%get3A_158, %get3A_159] : memref<64x32xf32, #tpu.memory_space<vmem>>, vector<64x32xf32>
    %dot_general3A_161 = arith.constant dense<0.000000e+00> : vector<1024x32xf32>
    %dot_general3A_162 = tpu.matmul %max3A_157, %get3A_160, %dot_general3A_161 {dimension_numbers = #tpu.dot_dimension_numbers<[1], [0], [0], [1], [0, 0, 1, 1], [], []>, transpose_lhs_hint = false} : vector<1024x64xf32>, vector<64x32xf32>, vector<1024x32xf32> -> vector<1024x32xf32>
    %get3A_163 = arith.constant 0 : index
    %get3A_164 = arith.constant 0 : index
    %get3A_165 = vector.load %arg16[%get3A_163, %get3A_164] : memref<1x32xf32, #tpu.memory_space<vmem>>, vector<1x32xf32>
    %add3A_166 = vector.broadcast %get3A_165 : vector<1x32xf32> to vector<1024x32xf32>
    %add3A_167 = arith.addf %dot_general3A_162, %add3A_166 : vector<1024x32xf32>
    %get3A_168 = arith.constant 0 : index
    %get3A_169 = arith.constant 0 : index
    %get3A_170 = vector.load %arg2[%get3A_168, %get3A_169] : memref<1024x1xi32, #tpu.memory_space<vmem>>, vector<1024x1xi32>
    %get3A_171 = arith.constant dense<0> : vector<1024x1xi32>
    %get3A_172 = arith.cmpi ne, %get3A_170, %get3A_171 : vector<1024x1xi32>
    %convert_element_type3A_173 = arith.extui %get3A_172 : vector<1024x1xi1> to vector<1024x1xi32>
    %convert_element_type3A_174 = arith.sitofp %convert_element_type3A_173 : vector<1024x1xi32> to vector<1024x1xf32>
    %mul3A_175 = vector.broadcast %convert_element_type3A_174 : vector<1024x1xf32> to vector<1024x32xf32>
    %mul3A_176 = arith.mulf %add3A_167, %mul3A_175 : vector<1024x32xf32>
    %iota3A = tpu.iota {dimensions = array<i32: 1>} : vector<1x128xi32>
    %jit3A_177 = arith.constant 32 : i32
    %div3A_178 = vector.broadcast %jit3A_177 : i32 to vector<1x128xi32>
    %div3A_179 = arith.divsi %iota3A, %div3A_178 : vector<1x128xi32>
    %sign3A = arith.constant 0 : i32
    %sign3A_180 = vector.broadcast %sign3A : i32 to vector<1x128xi32>
    %sign3A_181 = arith.cmpi sgt, %iota3A, %sign3A_180 : vector<1x128xi32>
    %sign3A_182 = arith.extui %sign3A_181 : vector<1x128xi1> to vector<1x128xi32>
    %sign3A_183 = arith.constant 0 : i32
    %sign3A_184 = vector.broadcast %sign3A_183 : i32 to vector<1x128xi32>
    %sign3A_185 = arith.cmpi slt, %iota3A, %sign3A_184 : vector<1x128xi32>
    %sign3A_186 = arith.extui %sign3A_185 : vector<1x128xi1> to vector<1x128xi32>
    %sign3A_187 = arith.subi %sign3A_182, %sign3A_186 : vector<1x128xi32>
    %sign3A_188 = arith.constant 0 : i32
    %sign3A_189 = arith.cmpi sgt, %jit3A_177, %sign3A_188 : i32
    %sign3A_190 = arith.extui %sign3A_189 : i1 to i32
    %sign3A_191 = arith.constant 0 : i32
    %sign3A_192 = arith.cmpi slt, %jit3A_177, %sign3A_191 : i32
    %sign3A_193 = arith.extui %sign3A_192 : i1 to i32
    %sign3A_194 = arith.subi %sign3A_190, %sign3A_193 : i32
    %ne3A = vector.broadcast %sign3A_194 : i32 to vector<1x128xi32>
    %ne3A_195 = arith.cmpi ne, %sign3A_187, %ne3A : vector<1x128xi32>
    %rem3A = vector.broadcast %jit3A_177 : i32 to vector<1x128xi32>
    %rem3A_196 = arith.remsi %iota3A, %rem3A : vector<1x128xi32>
    %ne3A_197 = arith.constant 0 : i32
    %ne3A_198 = vector.broadcast %ne3A_197 : i32 to vector<1x128xi32>
    %ne3A_199 = arith.cmpi ne, %rem3A_196, %ne3A_198 : vector<1x128xi32>
    %and3A = arith.andi %ne3A_195, %ne3A_199 : vector<1x128xi1>
    %sub3A_200 = arith.constant 1 : i32
    %sub3A_201 = vector.broadcast %sub3A_200 : i32 to vector<1x128xi32>
    %sub3A_202 = arith.subi %div3A_179, %sub3A_201 : vector<1x128xi32>
    %select_n3A_203 = arith.select %and3A, %sub3A_202, %div3A_179 : vector<1x128xi1>, vector<1x128xi32>
    %get3A_204 = arith.constant 0 : index
    %get3A_205 = arith.constant 0 : index
    %get3A_206 = vector.load %arg3[%get3A_204, %get3A_205] : memref<1024x1xi32, #tpu.memory_space<vmem>>, vector<1024x1xi32>
    %and3A_207 = arith.constant 3 : i32
    %and3A_208 = vector.broadcast %and3A_207 : i32 to vector<1024x1xi32>
    %and3A_209 = arith.andi %get3A_206, %and3A_208 : vector<1024x1xi32>
    %eq3A = vector.broadcast %select_n3A_203 : vector<1x128xi32> to vector<1024x128xi32>
    %eq3A_210 = vector.broadcast %and3A_209 : vector<1024x1xi32> to vector<1024x128xi32>
    %eq3A_211 = arith.cmpi eq, %eq3A, %eq3A_210 : vector<1024x128xi32>
    %convert_element_type3A_212 = arith.extui %eq3A_211 : vector<1024x128xi1> to vector<1024x128xi32>
    %convert_element_type3A_213 = arith.sitofp %convert_element_type3A_212 : vector<1024x128xi32> to vector<1024x128xf32>
    %get3A_214 = arith.constant 0 : index
    %get3A_215 = arith.constant 0 : index
    %get3A_216 = vector.load %arg4[%get3A_214, %get3A_215] : memref<32x128xf32, #tpu.memory_space<vmem>>, vector<32x128xf32>
    %dot_general3A_217 = arith.constant dense<0.000000e+00> : vector<1024x128xf32>
    %dot_general3A_218 = tpu.matmul %mul3A_176, %get3A_216, %dot_general3A_217 {dimension_numbers = #tpu.dot_dimension_numbers<[1], [0], [0], [1], [0, 0, 1, 1], [], []>, transpose_lhs_hint = false} : vector<1024x32xf32>, vector<32x128xf32>, vector<1024x128xf32> -> vector<1024x128xf32>
    %mul3A_219 = arith.mulf %dot_general3A_218, %convert_element_type3A_213 : vector<1024x128xf32>
    %swap3A = arith.constant 0 : index
    %swap3A_220 = arith.constant 0 : index
    %swap3A_221 = vector.load %arg17[%swap3A, %swap3A_220] : memref<1024x128xf32, #tpu.memory_space<vmem>>, vector<1024x128xf32>
    tpu.vector_store %arg17[%swap3A, %swap3A_220], %mul3A_219 {strides = array<i32>} : memref<1024x128xf32, #tpu.memory_space<vmem>>, vector<1024x128xf32>,
    return
  }
  func.func @transform_0(%arg0: i32) -> (i32, i32) {
    %c0_i32 = arith.constant 0 : i32
    %c0_i32_0 = arith.constant 0 : i32
    return %arg0, %c0_i32 : i32, i32
  }
  func.func @transform_1(%arg0: i32) -> (i32, i32) {
    %c0_i32 = arith.constant 0 : i32
    %c0_i32_0 = arith.constant 0 : i32
    return %arg0, %c0_i32 : i32, i32
  }
  func.func @transform_2(%arg0: i32) -> (i32, i32) {
    %c0_i32 = arith.constant 0 : i32
    %c0_i32_0 = arith.constant 0 : i32
    return %arg0, %c0_i32 : i32, i32
  }
  func.func @transform_3(%arg0: i32) -> (i32, i32) {
    %c0_i32 = arith.constant 0 : i32
    %c0_i32_0 = arith.constant 0 : i32
    %c0_i32_1 = arith.constant 0 : i32
    return %c0_i32, %c0_i32_0 : i32, i32
  }
  func.func @transform_4(%arg0: i32) -> (i32, i32) {
    %c0_i32 = arith.constant 0 : i32
    %c0_i32_0 = arith.constant 0 : i32
    %c0_i32_1 = arith.constant 0 : i32
    return %c0_i32, %c0_i32_0 : i32, i32
  }
  func.func @transform_5(%arg0: i32) -> (i32, i32) {
    %c0_i32 = arith.constant 0 : i32
    %c0_i32_0 = arith.constant 0 : i32
    %c0_i32_1 = arith.constant 0 : i32
    return %c0_i32, %c0_i32_0 : i32, i32
  }
  func.func @transform_6(%arg0: i32) -> (i32, i32) {
    %c0_i32 = arith.constant 0 : i32
    %c0_i32_0 = arith.constant 0 : i32
    %c0_i32_1 = arith.constant 0 : i32
    return %c0_i32, %c0_i32_0 : i32, i32
  }
  func.func @transform_7(%arg0: i32) -> (i32, i32) {
    %c0_i32 = arith.constant 0 : i32
    %c0_i32_0 = arith.constant 0 : i32
    %c0_i32_1 = arith.constant 0 : i32
    return %c0_i32, %c0_i32_0 : i32, i32
  }
  func.func @transform_8(%arg0: i32) -> (i32, i32) {
    %c0_i32 = arith.constant 0 : i32
    %c0_i32_0 = arith.constant 0 : i32
    %c0_i32_1 = arith.constant 0 : i32
    return %c0_i32, %c0_i32_0 : i32, i32
  }
  func.func @transform_9(%arg0: i32) -> (i32, i32) {
    %c0_i32 = arith.constant 0 : i32
    %c0_i32_0 = arith.constant 0 : i32
    %c0_i32_1 = arith.constant 0 : i32
    return %c0_i32, %c0_i32_0 : i32, i32
  }
  func.func @transform_10(%arg0: i32) -> (i32, i32) {
    %c0_i32 = arith.constant 0 : i32
    %c0_i32_0 = arith.constant 0 : i32
    %c0_i32_1 = arith.constant 0 : i32
    return %c0_i32, %c0_i32_0 : i32, i32
  }
  func.func @transform_11(%arg0: i32) -> (i32, i32) {
    %c0_i32 = arith.constant 0 : i32
    %c0_i32_0 = arith.constant 0 : i32
    %c0_i32_1 = arith.constant 0 : i32
    return %c0_i32, %c0_i32_0 : i32, i32
  }
  func.func @transform_12(%arg0: i32) -> (i32, i32) {
    %c0_i32 = arith.constant 0 : i32
    %c0_i32_0 = arith.constant 0 : i32
    %c0_i32_1 = arith.constant 0 : i32
    return %c0_i32, %c0_i32_0 : i32, i32
  }
  func.func @transform_13(%arg0: i32) -> (i32, i32) {
    %c0_i32 = arith.constant 0 : i32
    %c0_i32_0 = arith.constant 0 : i32
    %c0_i32_1 = arith.constant 0 : i32
    return %c0_i32, %c0_i32_0 : i32, i32
  }
  func.func @transform_14(%arg0: i32) -> (i32, i32) {
    %c0_i32 = arith.constant 0 : i32
    %c0_i32_0 = arith.constant 0 : i32
    %c0_i32_1 = arith.constant 0 : i32
    return %c0_i32, %c0_i32_0 : i32, i32
  }
  func.func @transform_15(%arg0: i32) -> (i32, i32) {
    %c0_i32 = arith.constant 0 : i32
    %c0_i32_0 = arith.constant 0 : i32
    %c0_i32_1 = arith.constant 0 : i32
    return %c0_i32, %c0_i32_0 : i32, i32
  }
  func.func @transform_16(%arg0: i32) -> (i32, i32) {
    %c0_i32 = arith.constant 0 : i32
    %c0_i32_0 = arith.constant 0 : i32
    return %arg0, %c0_i32 : i32, i32
  }
}

module attributes {stable_mosaic.version = 14 : i64} {
  func.func @_conv_body(%arg0: i32, %arg1: memref<19760x128xf32, #tpu.memory_space<any>>, %arg2: memref<2624x1xf32, #tpu.memory_space<vmem>>, %arg3: memref<128x128xf32, #tpu.memory_space<vmem>>, %arg4: memref<1x128xf32, #tpu.memory_space<vmem>>, %arg5: memref<1x128xf32, #tpu.memory_space<vmem>>, %arg6: memref<9x128x128xf32, #tpu.memory_space<vmem>>, %arg7: memref<1x128xf32, #tpu.memory_space<vmem>>, %arg8: memref<2448x128xf32, #tpu.memory_space<vmem>>, %arg9: memref<2x2624x128xf32, #tpu.memory_space<vmem>>, %arg10: memref<2x!tpu.dma_semaphore, #tpu.memory_space<semaphore_mem>>) attributes {dimension_semantics = [#tpu.dimension_semantics<arbitrary>], iteration_bounds = array<i64: 8>, scalar_prefetch = 0 : i64, scratch_operands = 2 : i64, tpu.core_type = #tpu.core_type<tc>, window_params = [{}, {pipeline_mode = #tpu.pipeline_mode<synchronous>, transform_indices = @transform_1, window_bounds = array<i64: 2624, 1>}, {pipeline_mode = #tpu.pipeline_mode<synchronous>, transform_indices = @transform_2, window_bounds = array<i64: 128, 128>}, {pipeline_mode = #tpu.pipeline_mode<synchronous>, transform_indices = @transform_3, window_bounds = array<i64: 1, 128>}, {pipeline_mode = #tpu.pipeline_mode<synchronous>, transform_indices = @transform_4, window_bounds = array<i64: 1, 128>}, {pipeline_mode = #tpu.pipeline_mode<synchronous>, transform_indices = @transform_5, window_bounds = array<i64: 9, 128, 128>}, {pipeline_mode = #tpu.pipeline_mode<synchronous>, transform_indices = @transform_6, window_bounds = array<i64: 1, 128>}, {transform_indices = @transform_7, window_bounds = array<i64: 2448, 128>}]} {
    %rem3A = arith.constant 2 : i32
    %rem3A_0 = arith.remsi %arg0, %rem3A : i32
    %add3A = arith.constant 1 : i32
    %add3A_1 = arith.addi %arg0, %add3A : i32
    %rem3A_2 = arith.constant 2 : i32
    %rem3A_3 = arith.remsi %add3A_1, %rem3A_2 : i32
    %eq3A = arith.constant 0 : i32
    %eq3A_4 = arith.cmpi eq, %arg0, %eq3A : i32
    %convert_element_type3A = arith.extui %eq3A_4 : i1 to i32
    %cond3A = arith.constant 0 : i32
    %cond3A_5 = arith.cmpi ne, %convert_element_type3A, %cond3A : i32
    scf.if %cond3A_5 {
      %mul3A_173 = arith.constant 2448 : i32
      %mul3A_174 = arith.muli %arg0, %mul3A_173 : i32
      %dma_start3A = tpu.memref_slice %arg10[%rem3A_0] : memref<2x!tpu.dma_semaphore, #tpu.memory_space<semaphore_mem>> -> memref<1x!tpu.dma_semaphore, #tpu.memory_space<semaphore_mem>>
      %dma_start3A_175 = tpu.memref_squeeze %dma_start3A : memref<1x!tpu.dma_semaphore, #tpu.memory_space<semaphore_mem>> -> memref<!tpu.dma_semaphore, #tpu.memory_space<semaphore_mem>>
      %dma_start3A_176 = arith.constant 0 : i32
      %dma_start3A_177 = arith.constant 0 : i32
      %dma_start3A_178 = tpu.memref_slice %arg9[%rem3A_0, %dma_start3A_176, %dma_start3A_177] : memref<2x2624x128xf32, #tpu.memory_space<vmem>> -> memref<1x2624x128xf32, #tpu.memory_space<vmem>>
      %dma_start3A_179 = tpu.memref_squeeze %dma_start3A_178 : memref<1x2624x128xf32, #tpu.memory_space<vmem>> -> memref<2624x128xf32, #tpu.memory_space<vmem>>
      %dma_start3A_180 = arith.constant 0 : i32
      %dma_start3A_181 = tpu.memref_slice %arg1[%mul3A_174, %dma_start3A_180] : memref<19760x128xf32, #tpu.memory_space<any>> -> memref<2624x128xf32, #tpu.memory_space<any>>
      tpu.enqueue_dma source(%dma_start3A_181 : memref<2624x128xf32, #tpu.memory_space<any>>) target(%dma_start3A_179 : memref<2624x128xf32, #tpu.memory_space<vmem>>) target_semaphore(%dma_start3A_175 : memref<!tpu.dma_semaphore, #tpu.memory_space<semaphore_mem>>)
    } else {
    }
    %add3A_6 = arith.constant 1 : i32
    %add3A_7 = arith.addi %arg0, %add3A_6 : i32
    %lt3A = arith.constant 8 : i32
    %lt3A_8 = arith.cmpi slt, %add3A_7, %lt3A : i32
    %convert_element_type3A_9 = arith.extui %lt3A_8 : i1 to i32
    %cond3A_10 = arith.constant 0 : i32
    %cond3A_11 = arith.cmpi ne, %convert_element_type3A_9, %cond3A_10 : i32
    scf.if %cond3A_11 {
      %add3A_173 = arith.constant 1 : i32
      %add3A_174 = arith.addi %arg0, %add3A_173 : i32
      %mul3A_175 = arith.constant 2448 : i32
      %mul3A_176 = arith.muli %add3A_174, %mul3A_175 : i32
      %dma_start3A = tpu.memref_slice %arg10[%rem3A_3] : memref<2x!tpu.dma_semaphore, #tpu.memory_space<semaphore_mem>> -> memref<1x!tpu.dma_semaphore, #tpu.memory_space<semaphore_mem>>
      %dma_start3A_177 = tpu.memref_squeeze %dma_start3A : memref<1x!tpu.dma_semaphore, #tpu.memory_space<semaphore_mem>> -> memref<!tpu.dma_semaphore, #tpu.memory_space<semaphore_mem>>
      %dma_start3A_178 = arith.constant 0 : i32
      %dma_start3A_179 = arith.constant 0 : i32
      %dma_start3A_180 = tpu.memref_slice %arg9[%rem3A_3, %dma_start3A_178, %dma_start3A_179] : memref<2x2624x128xf32, #tpu.memory_space<vmem>> -> memref<1x2624x128xf32, #tpu.memory_space<vmem>>
      %dma_start3A_181 = tpu.memref_squeeze %dma_start3A_180 : memref<1x2624x128xf32, #tpu.memory_space<vmem>> -> memref<2624x128xf32, #tpu.memory_space<vmem>>
      %dma_start3A_182 = arith.constant 0 : i32
      %dma_start3A_183 = tpu.memref_slice %arg1[%mul3A_176, %dma_start3A_182] : memref<19760x128xf32, #tpu.memory_space<any>> -> memref<2624x128xf32, #tpu.memory_space<any>>
      tpu.enqueue_dma source(%dma_start3A_183 : memref<2624x128xf32, #tpu.memory_space<any>>) target(%dma_start3A_181 : memref<2624x128xf32, #tpu.memory_space<vmem>>) target_semaphore(%dma_start3A_177 : memref<!tpu.dma_semaphore, #tpu.memory_space<semaphore_mem>>)
    } else {
    }
    %mul3A = arith.constant 2448 : i32
    %mul3A_12 = arith.muli %arg0, %mul3A : i32
    %dma_wait3A = tpu.memref_slice %arg10[%rem3A_0] : memref<2x!tpu.dma_semaphore, #tpu.memory_space<semaphore_mem>> -> memref<1x!tpu.dma_semaphore, #tpu.memory_space<semaphore_mem>>
    %dma_wait3A_13 = tpu.memref_squeeze %dma_wait3A : memref<1x!tpu.dma_semaphore, #tpu.memory_space<semaphore_mem>> -> memref<!tpu.dma_semaphore, #tpu.memory_space<semaphore_mem>>
    %dma_wait3A_14 = arith.constant 0 : i32
    %dma_wait3A_15 = arith.constant 0 : i32
    %dma_wait3A_16 = tpu.memref_slice %arg9[%rem3A_0, %dma_wait3A_14, %dma_wait3A_15] : memref<2x2624x128xf32, #tpu.memory_space<vmem>> -> memref<1x2624x128xf32, #tpu.memory_space<vmem>>
    %dma_wait3A_17 = tpu.memref_squeeze %dma_wait3A_16 : memref<1x2624x128xf32, #tpu.memory_space<vmem>> -> memref<2624x128xf32, #tpu.memory_space<vmem>>
    %dma_wait3A_18 = arith.constant 0 : i32
    %dma_wait3A_19 = tpu.memref_slice %arg1[%mul3A_12, %dma_wait3A_18] : memref<19760x128xf32, #tpu.memory_space<any>> -> memref<2624x128xf32, #tpu.memory_space<any>>
    tpu.wait_dma2 semaphore(%dma_wait3A_13 : memref<!tpu.dma_semaphore, #tpu.memory_space<semaphore_mem>>) src(%dma_wait3A_19 : memref<2624x128xf32, #tpu.memory_space<any>>) dst(%dma_wait3A_17 : memref<2624x128xf32, #tpu.memory_space<vmem>>)
    %get3A = arith.index_cast %rem3A_0 : i32 to index
    %get3A_20 = arith.constant 0 : index
    %get3A_21 = arith.constant 0 : index
    %get3A_22 = vector.load %arg9[%get3A, %get3A_20, %get3A_21] : memref<2x2624x128xf32, #tpu.memory_space<vmem>>, vector<1x2624x128xf32>
    %get3A_23 = vector.shape_cast %get3A_22 : vector<1x2624x128xf32> to vector<2624x128xf32>
    %get3A_24 = arith.constant 0 : index
    %get3A_25 = arith.constant 0 : index
    %get3A_26 = vector.load %arg3[%get3A_24, %get3A_25] : memref<128x128xf32, #tpu.memory_space<vmem>>, vector<128x128xf32>
    %dot_general3A = arith.constant dense<0.000000e+00> : vector<2624x128xf32>
    %dot_general3A_27 = tpu.matmul %get3A_23, %get3A_26, %dot_general3A {dimension_numbers = #tpu.dot_dimension_numbers<[1], [0], [0], [1], [0, 0, 1, 1], [], []>, transpose_lhs_hint = false} : vector<2624x128xf32>, vector<128x128xf32>, vector<2624x128xf32> -> vector<2624x128xf32>
    %mul3A_28 = arith.mulf %get3A_23, %get3A_23 : vector<2624x128xf32>
    %get3A_29 = arith.constant 0 : index
    %get3A_30 = arith.constant 0 : index
    %get3A_31 = vector.load %arg3[%get3A_29, %get3A_30] : memref<128x128xf32, #tpu.memory_space<vmem>>, vector<128x128xf32>
    %dot_general3A_32 = arith.constant dense<0.000000e+00> : vector<2624x128xf32>
    %dot_general3A_33 = tpu.matmul %mul3A_28, %get3A_31, %dot_general3A_32 {dimension_numbers = #tpu.dot_dimension_numbers<[1], [0], [0], [1], [0, 0, 1, 1], [], []>, transpose_lhs_hint = false} : vector<2624x128xf32>, vector<128x128xf32>, vector<2624x128xf32> -> vector<2624x128xf32>
    %mul3A_34 = arith.mulf %dot_general3A_27, %dot_general3A_27 : vector<2624x128xf32>
    %sub3A = arith.subf %dot_general3A_33, %mul3A_34 : vector<2624x128xf32>
    %sub3A_35 = arith.subf %get3A_23, %dot_general3A_27 : vector<2624x128xf32>
    %add3A_36 = arith.constant 9.99999997E-7 : f32
    %add3A_37 = vector.broadcast %add3A_36 : f32 to vector<2624x128xf32>
    %add3A_38 = arith.addf %sub3A, %add3A_37 : vector<2624x128xf32>
    %rsqrt3A = math.rsqrt %add3A_38 : vector<2624x128xf32>
    %mul3A_39 = arith.mulf %sub3A_35, %rsqrt3A : vector<2624x128xf32>
    %get3A_40 = arith.constant 0 : index
    %get3A_41 = arith.constant 0 : index
    %get3A_42 = vector.load %arg4[%get3A_40, %get3A_41] : memref<1x128xf32, #tpu.memory_space<vmem>>, vector<1x128xf32>
    %mul3A_43 = vector.broadcast %get3A_42 : vector<1x128xf32> to vector<2624x128xf32>
    %mul3A_44 = arith.mulf %mul3A_39, %mul3A_43 : vector<2624x128xf32>
    %get3A_45 = arith.constant 0 : index
    %get3A_46 = arith.constant 0 : index
    %get3A_47 = vector.load %arg5[%get3A_45, %get3A_46] : memref<1x128xf32, #tpu.memory_space<vmem>>, vector<1x128xf32>
    %add3A_48 = vector.broadcast %get3A_47 : vector<1x128xf32> to vector<2624x128xf32>
    %add3A_49 = arith.addf %mul3A_44, %add3A_48 : vector<2624x128xf32>
    %max3A = arith.constant 0.000000e+00 : f32
    %max3A_50 = vector.broadcast %max3A : f32 to vector<2624x128xf32>
    %max3A_51 = arith.maximumf %add3A_49, %max3A_50 : vector<2624x128xf32>
    %iota3A = tpu.iota {dimensions = array<i32: 0>} : vector<2624x1xi32>
    %mul3A_52 = arith.constant 2448 : i32
    %mul3A_53 = arith.muli %arg0, %mul3A_52 : i32
    %add3A_54 = vector.broadcast %mul3A_53 : i32 to vector<2624x1xi32>
    %add3A_55 = arith.addi %iota3A, %add3A_54 : vector<2624x1xi32>
    %ge3A = arith.constant 152 : i32
    %ge3A_56 = vector.broadcast %ge3A : i32 to vector<2624x1xi32>
    %ge3A_57 = arith.cmpi sge, %add3A_55, %ge3A_56 : vector<2624x1xi32>
    %lt3A_58 = arith.constant 18584 : i32
    %lt3A_59 = vector.broadcast %lt3A_58 : i32 to vector<2624x1xi32>
    %lt3A_60 = arith.cmpi slt, %add3A_55, %lt3A_59 : vector<2624x1xi32>
    %and3A = arith.andi %ge3A_57, %lt3A_60 : vector<2624x1xi1>
    %convert_element_type3A_61 = arith.extui %and3A : vector<2624x1xi1> to vector<2624x1xi32>
    %convert_element_type3A_62 = arith.sitofp %convert_element_type3A_61 : vector<2624x1xi32> to vector<2624x1xf32>
    %get3A_63 = arith.constant 0 : index
    %get3A_64 = arith.constant 0 : index
    %get3A_65 = vector.load %arg2[%get3A_63, %get3A_64] : memref<2624x1xf32, #tpu.memory_space<vmem>>, vector<2624x1xf32>
    %mul3A_66 = arith.mulf %get3A_65, %convert_element_type3A_62 : vector<2624x1xf32>
    %mul3A_67 = vector.broadcast %mul3A_66 : vector<2624x1xf32> to vector<2624x128xf32>
    %mul3A_68 = arith.mulf %max3A_51, %mul3A_67 : vector<2624x128xf32>
    %slice3A = vector.extract_strided_slice %mul3A_68 {offsets = [8, 0], sizes = [2608, 128], strides = [1, 1]} : vector<2624x128xf32> to vector<2608x128xf32>
    %slice3A_69 = vector.extract_strided_slice %mul3A_68 {offsets = [9, 0], sizes = [2608, 128], strides = [1, 1]} : vector<2624x128xf32> to vector<2608x128xf32>
    %slice3A_70 = vector.extract_strided_slice %mul3A_68 {offsets = [7, 0], sizes = [2608, 128], strides = [1, 1]} : vector<2624x128xf32> to vector<2608x128xf32>
    %iota3A_71 = tpu.iota {dimensions = array<i32: 1>} : vector<2608x128xi32>
    %lt3A_72 = arith.constant 96 : i32
    %lt3A_73 = vector.broadcast %lt3A_72 : i32 to vector<2608x128xi32>
    %lt3A_74 = arith.cmpi slt, %iota3A_71, %lt3A_73 : vector<2608x128xi32>
    %roll3A = arith.constant 96 : i32
    %roll3A_75 = tpu.dynamic_rotate %slice3A by %roll3A dim 1 : vector<2608x128xf32>, i32 -> vector<2608x128xf32>
    %roll3A_76 = arith.constant 96 : i32
    %roll3A_77 = tpu.dynamic_rotate %slice3A_69 by %roll3A_76 dim 1 : vector<2608x128xf32>, i32 -> vector<2608x128xf32>
    %select_n3A = arith.select %lt3A_74, %roll3A_75, %roll3A_77 : vector<2608x128xi1>, vector<2608x128xf32>
    %ge3A_78 = arith.constant 32 : i32
    %ge3A_79 = vector.broadcast %ge3A_78 : i32 to vector<2608x128xi32>
    %ge3A_80 = arith.cmpi sge, %iota3A_71, %ge3A_79 : vector<2608x128xi32>
    %roll3A_81 = arith.constant 32 : i32
    %roll3A_82 = tpu.dynamic_rotate %slice3A by %roll3A_81 dim 1 : vector<2608x128xf32>, i32 -> vector<2608x128xf32>
    %roll3A_83 = arith.constant 32 : i32
    %roll3A_84 = tpu.dynamic_rotate %slice3A_70 by %roll3A_83 dim 1 : vector<2608x128xf32>, i32 -> vector<2608x128xf32>
    %select_n3A_85 = arith.select %ge3A_80, %roll3A_82, %roll3A_84 : vector<2608x128xi1>, vector<2608x128xf32>
    %get3A_86 = arith.constant 0 : index
    %get3A_87 = arith.constant 0 : index
    %get3A_88 = vector.load %arg7[%get3A_86, %get3A_87] : memref<1x128xf32, #tpu.memory_space<vmem>>, vector<1x128xf32>
    %broadcast_in_dim3A = vector.shape_cast %get3A_88 : vector<1x128xf32> to vector<1x128xf32>
    %broadcast_in_dim3A_89 = vector.broadcast %broadcast_in_dim3A : vector<1x128xf32> to vector<2448x128xf32>
    %slice3A_90 = vector.extract_strided_slice %select_n3A_85 {offsets = [0, 0], sizes = [2448, 128], strides = [1, 1]} : vector<2608x128xf32> to vector<2448x128xf32>
    %get3A_91 = arith.constant 0 : index
    %get3A_92 = arith.constant 0 : index
    %get3A_93 = arith.constant 0 : index
    %get3A_94 = vector.load %arg6[%get3A_91, %get3A_92, %get3A_93] : memref<9x128x128xf32, #tpu.memory_space<vmem>>, vector<1x128x128xf32>
    %get3A_95 = vector.shape_cast %get3A_94 : vector<1x128x128xf32> to vector<128x128xf32>
    %dot_general3A_96 = arith.constant dense<0.000000e+00> : vector<2448x128xf32>
    %dot_general3A_97 = tpu.matmul %slice3A_90, %get3A_95, %dot_general3A_96 {dimension_numbers = #tpu.dot_dimension_numbers<[1], [0], [0], [1], [0, 0, 1, 1], [], []>, transpose_lhs_hint = false} : vector<2448x128xf32>, vector<128x128xf32>, vector<2448x128xf32> -> vector<2448x128xf32>
    %add3A_98 = arith.addf %broadcast_in_dim3A_89, %dot_general3A_97 : vector<2448x128xf32>
    %slice3A_99 = vector.extract_strided_slice %slice3A {offsets = [0, 0], sizes = [2448, 128], strides = [1, 1]} : vector<2608x128xf32> to vector<2448x128xf32>
    %get3A_100 = arith.constant 1 : index
    %get3A_101 = arith.constant 0 : index
    %get3A_102 = arith.constant 0 : index
    %get3A_103 = vector.load %arg6[%get3A_100, %get3A_101, %get3A_102] : memref<9x128x128xf32, #tpu.memory_space<vmem>>, vector<1x128x128xf32>
    %get3A_104 = vector.shape_cast %get3A_103 : vector<1x128x128xf32> to vector<128x128xf32>
    %dot_general3A_105 = arith.constant dense<0.000000e+00> : vector<2448x128xf32>
    %dot_general3A_106 = tpu.matmul %slice3A_99, %get3A_104, %dot_general3A_105 {dimension_numbers = #tpu.dot_dimension_numbers<[1], [0], [0], [1], [0, 0, 1, 1], [], []>, transpose_lhs_hint = false} : vector<2448x128xf32>, vector<128x128xf32>, vector<2448x128xf32> -> vector<2448x128xf32>
    %add3A_107 = arith.addf %add3A_98, %dot_general3A_106 : vector<2448x128xf32>
    %slice3A_108 = vector.extract_strided_slice %select_n3A {offsets = [0, 0], sizes = [2448, 128], strides = [1, 1]} : vector<2608x128xf32> to vector<2448x128xf32>
    %get3A_109 = arith.constant 2 : index
    %get3A_110 = arith.constant 0 : index
    %get3A_111 = arith.constant 0 : index
    %get3A_112 = vector.load %arg6[%get3A_109, %get3A_110, %get3A_111] : memref<9x128x128xf32, #tpu.memory_space<vmem>>, vector<1x128x128xf32>
    %get3A_113 = vector.shape_cast %get3A_112 : vector<1x128x128xf32> to vector<128x128xf32>
    %dot_general3A_114 = arith.constant dense<0.000000e+00> : vector<2448x128xf32>
    %dot_general3A_115 = tpu.matmul %slice3A_108, %get3A_113, %dot_general3A_114 {dimension_numbers = #tpu.dot_dimension_numbers<[1], [0], [0], [1], [0, 0, 1, 1], [], []>, transpose_lhs_hint = false} : vector<2448x128xf32>, vector<128x128xf32>, vector<2448x128xf32> -> vector<2448x128xf32>
    %add3A_116 = arith.addf %add3A_107, %dot_general3A_115 : vector<2448x128xf32>
    %slice3A_117 = vector.extract_strided_slice %select_n3A_85 {offsets = [72, 0], sizes = [2448, 128], strides = [1, 1]} : vector<2608x128xf32> to vector<2448x128xf32>
    %get3A_118 = arith.constant 3 : index
    %get3A_119 = arith.constant 0 : index
    %get3A_120 = arith.constant 0 : index
    %get3A_121 = vector.load %arg6[%get3A_118, %get3A_119, %get3A_120] : memref<9x128x128xf32, #tpu.memory_space<vmem>>, vector<1x128x128xf32>
    %get3A_122 = vector.shape_cast %get3A_121 : vector<1x128x128xf32> to vector<128x128xf32>
    %dot_general3A_123 = arith.constant dense<0.000000e+00> : vector<2448x128xf32>
    %dot_general3A_124 = tpu.matmul %slice3A_117, %get3A_122, %dot_general3A_123 {dimension_numbers = #tpu.dot_dimension_numbers<[1], [0], [0], [1], [0, 0, 1, 1], [], []>, transpose_lhs_hint = false} : vector<2448x128xf32>, vector<128x128xf32>, vector<2448x128xf32> -> vector<2448x128xf32>
    %add3A_125 = arith.addf %add3A_116, %dot_general3A_124 : vector<2448x128xf32>
    %slice3A_126 = vector.extract_strided_slice %slice3A {offsets = [72, 0], sizes = [2448, 128], strides = [1, 1]} : vector<2608x128xf32> to vector<2448x128xf32>
    %get3A_127 = arith.constant 4 : index
    %get3A_128 = arith.constant 0 : index
    %get3A_129 = arith.constant 0 : index
    %get3A_130 = vector.load %arg6[%get3A_127, %get3A_128, %get3A_129] : memref<9x128x128xf32, #tpu.memory_space<vmem>>, vector<1x128x128xf32>
    %get3A_131 = vector.shape_cast %get3A_130 : vector<1x128x128xf32> to vector<128x128xf32>
    %dot_general3A_132 = arith.constant dense<0.000000e+00> : vector<2448x128xf32>
    %dot_general3A_133 = tpu.matmul %slice3A_126, %get3A_131, %dot_general3A_132 {dimension_numbers = #tpu.dot_dimension_numbers<[1], [0], [0], [1], [0, 0, 1, 1], [], []>, transpose_lhs_hint = false} : vector<2448x128xf32>, vector<128x128xf32>, vector<2448x128xf32> -> vector<2448x128xf32>
    %add3A_134 = arith.addf %add3A_125, %dot_general3A_133 : vector<2448x128xf32>
    %slice3A_135 = vector.extract_strided_slice %select_n3A {offsets = [72, 0], sizes = [2448, 128], strides = [1, 1]} : vector<2608x128xf32> to vector<2448x128xf32>
    %get3A_136 = arith.constant 5 : index
    %get3A_137 = arith.constant 0 : index
    %get3A_138 = arith.constant 0 : index
    %get3A_139 = vector.load %arg6[%get3A_136, %get3A_137, %get3A_138] : memref<9x128x128xf32, #tpu.memory_space<vmem>>, vector<1x128x128xf32>
    %get3A_140 = vector.shape_cast %get3A_139 : vector<1x128x128xf32> to vector<128x128xf32>
    %dot_general3A_141 = arith.constant dense<0.000000e+00> : vector<2448x128xf32>
    %dot_general3A_142 = tpu.matmul %slice3A_135, %get3A_140, %dot_general3A_141 {dimension_numbers = #tpu.dot_dimension_numbers<[1], [0], [0], [1], [0, 0, 1, 1], [], []>, transpose_lhs_hint = false} : vector<2448x128xf32>, vector<128x128xf32>, vector<2448x128xf32> -> vector<2448x128xf32>
    %add3A_143 = arith.addf %add3A_134, %dot_general3A_142 : vector<2448x128xf32>
    %slice3A_144 = vector.extract_strided_slice %select_n3A_85 {offsets = [144, 0], sizes = [2448, 128], strides = [1, 1]} : vector<2608x128xf32> to vector<2448x128xf32>
    %get3A_145 = arith.constant 6 : index
    %get3A_146 = arith.constant 0 : index
    %get3A_147 = arith.constant 0 : index
    %get3A_148 = vector.load %arg6[%get3A_145, %get3A_146, %get3A_147] : memref<9x128x128xf32, #tpu.memory_space<vmem>>, vector<1x128x128xf32>
    %get3A_149 = vector.shape_cast %get3A_148 : vector<1x128x128xf32> to vector<128x128xf32>
    %dot_general3A_150 = arith.constant dense<0.000000e+00> : vector<2448x128xf32>
    %dot_general3A_151 = tpu.matmul %slice3A_144, %get3A_149, %dot_general3A_150 {dimension_numbers = #tpu.dot_dimension_numbers<[1], [0], [0], [1], [0, 0, 1, 1], [], []>, transpose_lhs_hint = false} : vector<2448x128xf32>, vector<128x128xf32>, vector<2448x128xf32> -> vector<2448x128xf32>
    %add3A_152 = arith.addf %add3A_143, %dot_general3A_151 : vector<2448x128xf32>
    %slice3A_153 = vector.extract_strided_slice %slice3A {offsets = [144, 0], sizes = [2448, 128], strides = [1, 1]} : vector<2608x128xf32> to vector<2448x128xf32>
    %get3A_154 = arith.constant 7 : index
    %get3A_155 = arith.constant 0 : index
    %get3A_156 = arith.constant 0 : index
    %get3A_157 = vector.load %arg6[%get3A_154, %get3A_155, %get3A_156] : memref<9x128x128xf32, #tpu.memory_space<vmem>>, vector<1x128x128xf32>
    %get3A_158 = vector.shape_cast %get3A_157 : vector<1x128x128xf32> to vector<128x128xf32>
    %dot_general3A_159 = arith.constant dense<0.000000e+00> : vector<2448x128xf32>
    %dot_general3A_160 = tpu.matmul %slice3A_153, %get3A_158, %dot_general3A_159 {dimension_numbers = #tpu.dot_dimension_numbers<[1], [0], [0], [1], [0, 0, 1, 1], [], []>, transpose_lhs_hint = false} : vector<2448x128xf32>, vector<128x128xf32>, vector<2448x128xf32> -> vector<2448x128xf32>
    %add3A_161 = arith.addf %add3A_152, %dot_general3A_160 : vector<2448x128xf32>
    %slice3A_162 = vector.extract_strided_slice %select_n3A {offsets = [144, 0], sizes = [2448, 128], strides = [1, 1]} : vector<2608x128xf32> to vector<2448x128xf32>
    %get3A_163 = arith.constant 8 : index
    %get3A_164 = arith.constant 0 : index
    %get3A_165 = arith.constant 0 : index
    %get3A_166 = vector.load %arg6[%get3A_163, %get3A_164, %get3A_165] : memref<9x128x128xf32, #tpu.memory_space<vmem>>, vector<1x128x128xf32>
    %get3A_167 = vector.shape_cast %get3A_166 : vector<1x128x128xf32> to vector<128x128xf32>
    %dot_general3A_168 = arith.constant dense<0.000000e+00> : vector<2448x128xf32>
    %dot_general3A_169 = tpu.matmul %slice3A_162, %get3A_167, %dot_general3A_168 {dimension_numbers = #tpu.dot_dimension_numbers<[1], [0], [0], [1], [0, 0, 1, 1], [], []>, transpose_lhs_hint = false} : vector<2448x128xf32>, vector<128x128xf32>, vector<2448x128xf32> -> vector<2448x128xf32>
    %add3A_170 = arith.addf %add3A_161, %dot_general3A_169 : vector<2448x128xf32>
    %swap3A = arith.constant 0 : index
    %swap3A_171 = arith.constant 0 : index
    %swap3A_172 = vector.load %arg8[%swap3A, %swap3A_171] : memref<2448x128xf32, #tpu.memory_space<vmem>>, vector<2448x128xf32>
    tpu.vector_store %arg8[%swap3A, %swap3A_171], %add3A_170 {strides = array<i32>} : memref<2448x128xf32, #tpu.memory_space<vmem>>, vector<2448x128xf32>,
    return
  }
  func.func @transform_1(%arg0: i32) -> (i32, i32) {
    %c0_i32 = arith.constant 0 : i32
    %c0_i32_0 = arith.constant 0 : i32
    %c0_i32_1 = arith.constant 0 : i32
    return %c0_i32, %c0_i32_0 : i32, i32
  }
  func.func @transform_2(%arg0: i32) -> (i32, i32) {
    %c0_i32 = arith.constant 0 : i32
    %c0_i32_0 = arith.constant 0 : i32
    %c0_i32_1 = arith.constant 0 : i32
    return %c0_i32, %c0_i32_0 : i32, i32
  }
  func.func @transform_3(%arg0: i32) -> (i32, i32) {
    %c0_i32 = arith.constant 0 : i32
    %c0_i32_0 = arith.constant 0 : i32
    %c0_i32_1 = arith.constant 0 : i32
    return %c0_i32, %c0_i32_0 : i32, i32
  }
  func.func @transform_4(%arg0: i32) -> (i32, i32) {
    %c0_i32 = arith.constant 0 : i32
    %c0_i32_0 = arith.constant 0 : i32
    %c0_i32_1 = arith.constant 0 : i32
    return %c0_i32, %c0_i32_0 : i32, i32
  }
  func.func @transform_5(%arg0: i32) -> (i32, i32, i32) {
    %c0_i32 = arith.constant 0 : i32
    %c0_i32_0 = arith.constant 0 : i32
    %c0_i32_1 = arith.constant 0 : i32
    %c0_i32_2 = arith.constant 0 : i32
    return %c0_i32, %c0_i32_0, %c0_i32_1 : i32, i32, i32
  }
  func.func @transform_6(%arg0: i32) -> (i32, i32) {
    %c0_i32 = arith.constant 0 : i32
    %c0_i32_0 = arith.constant 0 : i32
    %c0_i32_1 = arith.constant 0 : i32
    return %c0_i32, %c0_i32_0 : i32, i32
  }
  func.func @transform_7(%arg0: i32) -> (i32, i32) {
    %c0_i32 = arith.constant 0 : i32
    %c0_i32_0 = arith.constant 0 : i32
    return %arg0, %c0_i32 : i32, i32
  }
}

</mosaic_0001>

<sc_bundles>
// kernel: kernel.5.cloned.1.call-start
scs
__scs_entry_jumppad:
0x0: {  	(pc) =	sbr.rel $0x88, $3  }
0x1: {  	(tag) =	ssettag $0x0;
	lr =	simm.s32 $0x1  }
0x2: {  	[smem:$0x3F8D] =	sst lr;
	_ =	strace $0xD0000000  }
0x3: {  	_ = 	snop  }
0x4: {  	_ = 	snop  }
0x5: {  	_ = 	snop  }
0x6: {  	_ = 	snop  }
0x7: {  	_ = 	snop  }
__scs_overlays_trampoline_lowered:
0x8: {  	[smem:$0x3F9C] =	sst s0  }
0x9: {  	[smem:$0x3F9D] =	sst s1  }
0xa: {  	[smem:$0x3F9E] =	sst s2  }
0xb: {  	[smem:$0x3F9F] =	sst s3  }
0xc: {  	[smem:$0x3FA0] =	sst s4  }
0xd: {  	[smem:$0x3FA1] =	sst s5  }
0xe: {  	[smem:$0x3FA2] =	sst s6  }
0xf: {  	[smem:$0x3FA3] =	sst s7  }
0x10: {  	[smem:$0x3FA4] =	sst s8  }
0x11: {  	[smem:$0x3FA5] =	sst s9;
	s0 =	simm.s32 @!p0 $0x0  }
0x12: {  	s1 =	sld [smem:$0x3F8B];
	s0 =	simm.s32 @p0 $0x1  }
0x13: {  	[smem:$0x3FA6] =	sst s0;
	s0 =	simm.s32 @!p1 $0x0  }
0x14: {  	s2 =	sld [smem:$0x3F8A];
	s0 =	simm.s32 @p1 $0x1  }
0x15: {  	[smem:$0x3FA7] =	sst s0;
	s0 =	simm.s32 @!p2 $0x0  }
0x16: {  	s3 =	sld [smem:$0x3FDB];
	s0 =	simm.s32 @p2 $0x1  }
0x17: {  	s4 =	simm.s32 $0x1BF5;
	[smem:$0x3FA9] =	sst s0  }
0x18: {  	s0 =	sld [smem:$0x3F8C];
	_ =	swait.ge [sflag:s4], $0x0  }
0x19: {  	s7 =	sld [smem:$0x3F8D]  }
0x1a: {  	s8 =	sadd.s32 $0xFFFFE003, lr  }
0x1b: {  	s9 =	sadd.s32 $0xFFFFFEF7, lr;
	s5 =	simm.s32 $0xFFFFFFFF;
	p2 =	slt.u32 s8, $0xFFFFF086  }
0x1c: {  	p1 =	slt.u32 s9, $0xF7A;
	s5 =	simm.s32 @!p2 $0x0  }
0x1d: {  	s5 =	simm.s32 @p1 $0x1;
	p0 =	seq.s32 s7, s2  }
0x1e: {  	s7 =	smul.u32 @!p0 $0xF7A, s2;
	p2 =	seq.s32 @!p0 s5, $0x0  }
0x1f: {  	s9 =	smul.u32 $0xF7A, s1;
	s8 =	simm.s32 @!p0 $0x1BF5;
	p2 =	por !p2, p0  }
0x20: {  	[sflag:s8] =	ssyncset.s32 @!p0 $0xFFFFF086;
	s6 =	sadd.s32 @!p0 s3, s7;
	s7 =	simm.s32 @!p0 $0x108  }
0x21: {  	s3 =	sadd.s32 s3, s9;
	s6 =	sadd.s32 @!p0 $0x88, s6;
	s7 =	simm.s32 @p2 $0x1082  }
0x22: {  	[simem:s7], [sflag:s8] =	dma.local @!p0 [hbm:s6], $0xF7A  }
0x23: {  	s9 =	sor.u32 $0xD0000000, s2;
	s6 =	simm.s32 $0x108;
	_ =	swait.ge @!p0 [sflag:s8], $0x0  }
0x24: {  	s3 =	sadd.s32 $0x88, s3;
	s6 =	simm.s32 @!p1 $0x1082;
	[sflag:s4] =	ssyncset.s32 $0xFFFFF086  }
0x25: {  	[simem:s6], [sflag:s4] =	dma.local [hbm:s3], $0xF7A  }
0x26: {  	[smem:$0x3F8D] =	sst s1;
	(tag) =	ssettag s2;
	_ =	strace s9  }
0x27: {  	s1 =	sld [smem:$0x3F9D]  }
0x28: {  	s2 =	sld [smem:$0x3F9E]  }
0x29: {  	s4 =	sld [smem:$0x3FA0]  }
0x2a: {  	p0 =	seq.s32 s5, $0x0;
	s5 =	sld [smem:$0x3FA1]  }
0x2b: {  	s6 =	sld [smem:$0x3FA2]  }
0x2c: {  	s7 =	sld [smem:$0x3FA3]  }
0x2d: {  	s3 =	simm.s32 $0x108;
	s8 =	sld [smem:$0x3FA4]  }
0x2e: {  	s3 =	simm.s32 @!p0 $0x1082;
	s9 =	sld [smem:$0x3FA5]  }
0x2f: {  	lr =	sadd.s32 s0, s3;
	s0 =	sld [smem:$0x3F9C]  }
0x30: {  	s3 =	sld [smem:$0x3F9F]  }
0x31: {  	[smem:$0x3FA8] =	sst s10  }
0x32: {  	s10 =	sld [smem:$0x3FA6];
	_ =	sdelay $0x3  }
0x33: {  	p0 =	seq.s32 s10, $0x1;
	s10 =	sld [smem:$0x3FA8];
	_ =	sdelay $0x3  }
0x34: {  	[smem:$0x3FA8] =	sst s10  }
0x35: {  	s10 =	sld [smem:$0x3FA7];
	_ =	sdelay $0x3  }
0x36: {  	p1 =	seq.s32 s10, $0x1;
	s10 =	sld [smem:$0x3FA8];
	_ =	sdelay $0x3  }
0x37: {  	[smem:$0x3FA8] =	sst s10  }
0x38: {  	s10 =	sld [smem:$0x3FA9]  }
0x39: {  	_ = 	snop;
	(pc) =	sbr.ind lr, $3  }
0x3a: {  	_ = 	snop  }
0x3b: {  	_ = 	snop  }
0x3c: {  	p2 =	seq.s32 s10, $0x1;
	s10 =	sld [smem:$0x3FA8]  }
0x3d: {  	_ =	shalt  }
0x3e: {  	_ =	shalt  }
0x3f: {  	_ =	shalt  }
0x40: {  	_ =	shalt  }
0x41: {  	_ =	shalt  }
0x42: {  	_ =	shalt  }
0x43: {  	_ =	shalt  }
0x44: {  	_ =	shalt  }
0x45: {  	_ =	shalt  }
0x46: {  	_ =	shalt  }
0x47: {  	_ =	shalt  }
0x48: {  	_ =	shalt  }
0x49: {  	_ =	shalt  }
0x4a: {  	_ =	shalt  }
0x4b: {  	_ =	shalt  }
0x4c: {  	_ =	shalt  }
0x4d: {  	_ =	shalt  }
0x4e: {  	_ =	shalt  }
0x4f: {  	_ =	shalt  }
0x50: {  	_ =	shalt  }
0x51: {  	_ =	shalt  }
0x52: {  	_ =	shalt  }
0x53: {  	_ =	shalt  }
0x54: {  	_ =	shalt  }
0x55: {  	_ =	shalt  }
0x56: {  	_ =	shalt  }
0x57: {  	_ =	shalt  }
0x58: {  	_ =	shalt  }
0x59: {  	_ =	shalt  }
0x5a: {  	_ =	shalt  }
0x5b: {  	_ =	shalt  }
0x5c: {  	_ =	shalt  }
0x5d: {  	_ =	shalt  }
0x5e: {  	_ =	shalt  }
0x5f: {  	_ =	shalt  }
0x60: {  	_ =	shalt  }
0x61: {  	_ =	shalt  }
0x62: {  	_ =	shalt  }
0x63: {  	_ =	shalt  }
0x64: {  	_ =	shalt  }
0x65: {  	_ =	shalt  }
0x66: {  	_ =	shalt  }
0x67: {  	_ =	shalt  }
0x68: {  	_ =	shalt  }
0x69: {  	_ =	shalt  }
0x6a: {  	_ =	shalt  }
0x6b: {  	_ =	shalt  }
0x6c: {  	_ =	shalt  }
0x6d: {  	_ =	shalt  }
0x6e: {  	_ =	shalt  }
0x6f: {  	_ =	shalt  }
0x70: {  	_ =	shalt  }
0x71: {  	_ =	shalt  }
0x72: {  	_ =	shalt  }
0x73: {  	_ =	shalt  }
0x74: {  	_ =	shalt  }
0x75: {  	_ =	shalt  }
0x76: {  	_ =	shalt  }
0x77: {  	_ =	shalt  }
0x78: {  	_ =	shalt  }
0x79: {  	_ =	shalt  }
0x7a: {  	_ =	shalt  }
0x7b: {  	_ =	shalt  }
0x7c: {  	_ =	shalt  }
0x7d: {  	_ =	shalt  }
0x7e: {  	_ =	shalt  }
0x7f: {  	_ =	shalt  }
0x80: {  	_ =	shalt  }
0x81: {  	_ =	shalt  }
0x82: {  	_ =	shalt  }
0x83: {  	_ =	shalt  }
0x84: {  	_ =	shalt  }
0x85: {  	_ =	shalt  }
0x86: {  	_ =	shalt  }
0x87: {  	_ =	shalt  }
.Lfunc_end0:
.L_simem_size_0:
called_computation_lowered:
.L_overlay_start_0:
0x88: {  	s2 =	sld [smem:$0x3FD9]  }
0x89: {  	s3 =	sld [smem:$0x3FFE];
	_ =	sdelay $0x1  }
0x8a: {  	s1 =	srdreg.scid  }
0x8b: {  	s0 =	sand.u32 $0x1, s1  }
0x8c: {  	s17 =	sshll.u32 s0, $0xA;
	s2 =	sadd.s32 s3, s2  }
0x8d: {  	s2 =	sadd.s32 s2, s17  }
0x8e: {  	[smem:$0x3FB4] =	sst s2  }
0x8f: {  	_ = 	snop  }
0x90: {  	s2 =	sld [smem:$0x3FC8]  }
0x91: {  	s18 =	sld [smem:$0x3FC7]  }
0x92: {  	s4 =	sld [smem:$0x3FD0];
	(tm) =	ssettm $0x1  }
0x93: {  	s5 =	sld [smem:$0x3FFB];
	_ =	sdelay $0x3  }
0x94: {  	_ =	strace s5  }
0x95: {  	s5 =	sld [smem:$0x3FFC];
	_ =	sdelay $0x3  }
0x96: {  	_ =	strace s5  }
0x97: {  	s5 =	sld [smem:$0x3FFD];
	_ =	sdelay $0x3  }
0x98: {  	_ =	strace s5  }
0x99: {  	_ =	strace $0x8FFFFFFF  }
0x9a: {  	s19 =	sld [smem:$0x3FDB];
	_ =	sdelay $0x1  }
0x9b: {  	s6 =	simm.s32 $_scs_section_size  }
0x9c: {  	s7 =	simm.s32 $_size__tile_overlayer_lowered;
	s8 =	simm.s32 $_tile_overlayer_lowered  }
0x9d: {  	s22 =	simm.s32 $0x1BFF;
	s21 =	sshll.u32 s8, $0x1;
	s5 =	sadd.s32 s6, s19  }
0x9e: {  	s9 =	simm.s32 $0x0;
	s20 =	sshll.u32 s7, $0x1;
	s7 =	sadd.s32 s21, s5  }
0x9f: {  	[timem:s9], [sflag:s22] =	dma.local [hbm:s7], s20  }
0xa0: {  	_ =	swait.ge [sflag:s22], s20  }
0xa1: {  	s6 =	ssub.s32 $0x0, s20;
	[sflag:s22] =	ssyncset.done $0x0  }
0xa2: {  	[sflag:s22] =	ssyncadd.s32 s6;
	_ =	sdelay $0x1  }
0xa3: {  	s23 =	simm.s32 $0x1B8B  }
0xa4: {  	_ =	swait.ge [sflag:s23], $0x1  }
0xa5: {  	[sflag:s23] =	ssyncset.done $0x0  }
0xa6: {  	s25 =	simm.s32 $0x1B8E;
	s24 =	sld [smem:$0x3FFE];
	[sflag:s23] =	ssyncadd.s32 $0xFFFFFFFF  }
0xa7: {  	s26 =	simm.s32 $execute0_lowered;
	[smem:$0x3FD2] =	sst s25  }
0xa8: {  	s7 =	sshll.u32 s26, $0x1;
	_ =	strace $0x80000046;
	[dreg:$0x1] =	wrdreg $0xFFFFFFFF  }
0xa9: {  	s28 =	simm.s32 $_size_execute0_lowered;
	s5 =	sadd.s32 s5, s7;
	[dreg:$0x0] =	wrdreg $0x0  }
0xaa: {  	s7 =	sshll.u32 s28, $0x1;
	[dreg:$0x2] =	wrdreg s5  }
0xab: {  	[dreg:$0x3] =	wrdreg s7  }
0xac: {  	[dreg:$0x4] =	wrdreg $0xC0  }
0xad: {  	_ =	task [dreg:s9], $0x5FFFF  }
0xae: {  	[dreg:$0x1] =	wrdreg $0xFFFFFFFF  }
0xaf: {  	[dreg:$0x0] =	wrdreg $0x60  }
0xb0: {  	[dreg:$0x2] =	wrdreg s4  }
0xb1: {  	[dreg:$0x3] =	wrdreg s2  }
0xb2: {  	[dreg:$0x4] =	wrdreg s18  }
0xb3: {  	[dreg:$0x5] =	wrdreg s24  }
0xb4: {  	[dreg:$0x6] =	wrdreg $0x0  }
0xb5: {  	[dreg:$0x7] =	wrdreg $0x9  }
0xb6: {  	_ =	task.clear_ibuf [dreg:s9], $0x8FFFF;
	_ =	strace $0x90000046  }
0xb7: {  	s29 =	simm.s32 $0x9;
	_ =	strace $0x80000048  }
0xb8: {  	_ =	swait.ge [sflag:s29], $0x1  }
0xb9: {  	[sflag:s29] =	ssyncadd.s32 $0xFFFFFFFF  }
0xba: {  	_ =	strace $0x90000048  }
0xbb: {  	_ =	sfence  }
0xbc: {  	s30 =	sld [smem:$0x0];
	_ =	sdelay $0x2  }
0xbd: {  	s31 =	sshll.u32 s1, $0xD;
	s1 =	sshrl.u32 s1, $0x2  }
0xbe: {  	s3 =	sand.u32 $0x4000, s31;
	s1 =	sadd.s32 s1, s30  }
0xbf: {  	s0 =	sor.u32 s3, s0;
	s1 =	sshll.u32 s1, $0x11  }
0xc0: {  	s0 =	sor.u32 s1, s0  }
0xc1: {  	s0 =	sadd.s32 $0x8F2B, s0  }
0xc2: {  	[sflag:s0] =	ssyncadd.remote.s32 $0x1  }
0xc3: {  	_ =	sfence.sel $0xFFFF  }
0xc4: {  	[dreg:$0x0] =	wrdreg $0xFFFFFFFF;
	(pc) =	sbr.abs _section_cstart, $3  }
0xc5: {  	[dreg:$0x1] =	wrdreg $0xFFFFFFFF  }
0xc6: {  	_ =	task.clear_ibuf [dreg:s9], $0x2FFFF;
	_ =	strace $0x9FFFFFFF  }
0xc7: {  	(tm) =	ssettm $0x7FFFFFFF  }
tec
execute0_lowered:
.L_overlay_start_1:
0x0: {  	(tag) =	ssettag $0x1  }
0x1: {  	s7 =	rddreg [dreg:$0x0]  }
0x2: {  	s5 =	rddreg [dreg:$0x1]  }
0x3: {  	s6 =	rddreg [dreg:$0x2]  }
0x4: {  	s4 =	rddreg [dreg:$0x3]  }
0x5: {  	s1 =	rddreg [dreg:$0x4]  }
0x6: {  	s0 =	rddreg [dreg:$0x5];
	s2 =	simm.s32 $0x0;
	s3 =	srdreg.scid  }
0x7: {  	s12 =	stileid.u32;
	s17 =	simm.s32 $0x139C8;
	s18 =	simm.s32 $0x80  }
0x8: {  	s20 =	simm.s32 $0x13548;
	s21 =	simm.s32 $0x179C8;
	[smem:$0x7FF] =	sst s2  }
0x9: {  	s8 =	sand.u32 $0x1, s3;
	s10 =	smul.u32 $0x4D000, s12;
	s3 =	sadd.s32 $0x2E00, s4  }
0xa: {  	s11 =	sadd.s32 $0x5600, s4;
	s26 =	smul.u32 $0x268, s12;
	s29 =	sshll.u32 s12, $0x6  }
0xb: {  	s16 =	sadd.s32 $0x134000, s1;
	s30 =	sshll.u32 s12, $0xD;
	p0 =	sne.s32 s12, $0x0  }
0xc: {  	_ =	strace $0x80000047;
	s9 =	ssub.s32 $0x2, s8;
	s15 =	smul.u32 $0x2698, s8  }
0xd: {  	s4 =	sor.u32 $0x1C01, s29;
	s8 =	smul.u32 $0x134C00, s8;
	s5 =	sadd.s32 s5, s29  }
0xe: {  	s6 =	sadd.s32 s6, s29;
	s25 =	sshrl.u32 s9, $0x1;
	s28 =	sshrl.u32 s10, $0x2  }
0xf: {  	s7 =	sadd.s32 s7, s30;
	s13 =	ssub.s32 s9, s25;
	s14 =	sadd.s32 s28, s1  }
0x10: {  	s9 =	sadd.s32 s26, s15;
	s8 =	sshrl.u32 s8, $0x3;
	s19 =	ssub.s32 $0x50, s15  }
0x11: {  	s15 =	simm.s32 $0x135C8;
	s9 =	sshll.u32 s9, $0x4;
	s31 =	sadd.s32 s11, s8  }
0x12: {  	s8 =	sadd.s32 $0x1000, s7;
	s12 =	sshrl.u32 s14, $0x3;
	s14 =	sshrl.u32 @!p0 s16, $0x3  }
0x13: {  	s16 =	simm.s32 $0x137C8;
	v0 =	vmov s19;
	s19 =	simm.s32 $0x134C8;
	s9 =	sadd.s32 s11, s9  }
0x14: {  	s10 =	sadd.s32 $0x26800, s31;
	s11 =	smax.u32 s13, $0x1;
	s13 =	simm.s32 $0x1  }
.LBB2_1:
0x15: {  	[spmem:s12], [sflag:s4] =	dma.local [hbm:s3], $0x2680  }
0x16: {  	_ =	swait.ge [sflag:s13], $0x2680  }
0x17: {  	[sflag:s13] =	ssyncset.done $0x0  }
0x18: {  	s22 =	simm.s32 @!p0 $0x1;
	[sflag:s13] =	ssyncadd.s32 $0xFFFFD980  }
0x19: {  	[spmem:s14], [sflag:s4] =	dma.local @!p0 [hbm:s3], $0x180  }
0x1a: {  	_ =	swait.ge @!p0 [sflag:s22], $0x180  }
0x1b: {  	[sflag:s22] =	ssyncset.done @!p0 $0x0  }
0x1c: {  	[sflag:s22] =	ssyncadd.s32 @!p0 $0xFFFFFE80  }
0x1d: {  	[tilespmem:s15], [sflag:$0x1] =	stream.linear.gather [hbm4b:s5+s2], $0x200, $0x38;
	[tilespmem:$0x1B9C8] =	vst v63  }
0x1e: {  	_ =	swait.ge [sflag:s13], $0x200  }
0x1f: {  	[sflag:s13] =	ssyncset.done $0x0  }
0x20: {  	[sflag:s13] =	ssyncadd.s32 $0xFFFFFE00  }
0x21: {  	[tilespmem:s16], [sflag:$0x1] =	stream.linear.gather [hbm4b:s6+s2], $0x200, $0x38;
	[tilespmem:$0x1B9C8] =	vst v63  }
0x22: {  	_ =	swait.ge [sflag:s13], $0x200  }
0x23: {  	[sflag:s13] =	ssyncset.done $0x0  }
0x24: {  	[sflag:s13] =	ssyncadd.s32 $0xFFFFFE00  }
0x25: {  	[bflag:$0x0] =	sbarrier.arrive $0xFFFF  }
0x26: {  	[tilespmem:s17], [sflag:$0x1] =	stream.linear.gather [hbm4b:s7+s2], $0x8000, $0x38;
	[tilespmem:$0x1B9C8] =	vst v63  }
0x27: {  	_ =	swait.ge [sflag:s13], $0x8000  }
0x28: {  	[sflag:s13] =	ssyncset.done $0x0  }
0x29: {  	[sflag:s13] =	ssyncadd.s32 $0xFFFF8000  }
0x2a: {  	v1 =	vld [tilespmem:$0x137C8]  }
0x2b: {  	v2 =	vld [tilespmem:$0x135C8]  }
0x2c: {  	v3 =	vld [tilespmem:$0x137D8]  }
0x2d: {  	v5 =	vld [tilespmem:$0x137E8]  }
0x2e: {  	v7 =	vld [tilespmem:$0x137F8]  }
0x2f: {  	v8 =	vld [tilespmem:$0x13808]  }
0x30: {  	v51 =	vld [tilespmem:$0x13608]  }
0x31: {  	v9 =	vld [tilespmem:$0x13818]  }
0x32: {  	v10 =	vld [tilespmem:$0x13828]  }
0x33: {  	v55 =	vld [tilespmem:$0x13628]  }
0x34: {  	v11 =	vld [tilespmem:$0x13838]  }
0x35: {  	v57 =	vld [tilespmem:$0x13638]  }
0x36: {  	v12 =	vld [tilespmem:$0x13848]  }
0x37: {  	v59 =	vld [tilespmem:$0x13648]  }
0x38: {  	v13 =	vld [tilespmem:$0x13858]  }
0x39: {  	v61 =	vld [tilespmem:$0x13658]  }
0x3a: {  	v14 =	vld [tilespmem:$0x13868]  }
0x3b: {  	v63 =	vld [tilespmem:$0x13668]  }
0x3c: {  	v15 =	vld [tilespmem:$0x13878]  }
0x3d: {  	v16 =	vld [tilespmem:$0x13888]  }
0x3e: {  	v29 =	vld [tilespmem:$0x13898]  }
0x3f: {  	v32 =	vld [tilespmem:$0x138A8]  }
0x40: {  	v35 =	vld [tilespmem:$0x138B8]  }
0x41: {  	v21 =	vld [tilespmem:$0x13678];
	v1 =	vmul.u32 $0x120, v1;
	v50 =	vmul.u32 $0x120, v5;
	v52 =	vmul.u32 $0x120, v7  }
0x42: {  	v23 =	vld [tilespmem:$0x13688];
	v54 =	vmul.u32 $0x120, v8;
	v56 =	vmul.u32 $0x120, v9;
	v58 =	vmul.u32 $0x120, v10  }
0x43: {  	v26 =	vld [tilespmem:$0x13698];
	v60 =	vmul.u32 $0x120, v11;
	v62 =	vmul.u32 $0x120, v12;
	v20 =	vmul.u32 $0x120, v13  }
0x44: {  	v37 =	vld [tilespmem:$0x136A8];
	v22 =	vmul.u32 $0x120, v14;
	v28 =	vmul.u32 $0x120, v15;
	v34 =	vmul.u32 $0x120, v16  }
0x45: {  	v39 =	vld [tilespmem:$0x136B8];
	v40 =	vmul.u32 $0x120, v29;
	v42 =	vmul.u32 $0x120, v32;
	v45 =	vmul.u32 $0x120, v35  }
0x46: {  	v1 =	vadd.s32 v1, v2;
	v2 =	vmul.u32 $0x120, v3;
	v5 =	vadd.s32 v54, v51  }
0x47: {  	v7 =	vadd.s32 v58, v55;
	v8 =	vadd.s32 v60, v57;
	v9 =	vadd.s32 v62, v59  }
0x48: {  	v4 =	vld [tilespmem:$0x135D8];
	v10 =	vadd.s32 v20, v61;
	v27 =	vadd.s32 v22, v63;
	v33 =	vadd.s32 v28, v21  }
0x49: {  	v6 =	vld [tilespmem:$0x135E8];
	v38 =	vadd.s32 v34, v23;
	v44 =	vadd.s32 v40, v26;
	v47 =	vadd.s32 v42, v37  }
0x4a: {  	v53 =	vld [tilespmem:$0x13618];
	v49 =	vadd.s32 v45, v39;
	v1 =	vadd.s32 $0x120, v1;
	v5 =	vadd.s32 $0x120, v5  }
0x4b: {  	v7 =	vadd.s32 $0x120, v7;
	v8 =	vadd.s32 $0x120, v8;
	v9 =	vadd.s32 $0x120, v9  }
0x4c: {  	v25 =	vadd.s32 $0x120, v10;
	v31 =	vadd.s32 $0x120, v27;
	v36 =	vadd.s32 $0x120, v33  }
0x4d: {  	v46 =	vadd.s32 $0x120, v44;
	v48 =	vadd.s32 $0x120, v47;
	v1 =	vshrl.u32 v1, $0x2  }
0x4e: {  	v2 =	vadd.s32 v2, v4;
	v4 =	vadd.s32 v50, v6;
	v5 =	vshrl.u32 v5, $0x2  }
0x4f: {  	v6 =	vadd.s32 v56, v53;
	v7 =	vshrl.u32 v7, $0x2;
	v8 =	vshrl.u32 v8, $0x2  }
0x50: {  	v3 =	vld [tilespmem:$0x135F8];
	v9 =	vshrl.u32 v9, $0x2;
	v50 =	vadd.s32 $0x120, v49;
	v1 =	vadd.s32 v0, v1  }
0x51: {  	v2 =	vadd.s32 $0x120, v2;
	v4 =	vadd.s32 $0x120, v4;
	v5 =	vadd.s32 v0, v5  }
0x52: {  	v6 =	vadd.s32 $0x120, v6;
	v7 =	vadd.s32 v0, v7;
	v1 =	vmin.u32 v1, $0x2698  }
0x53: {  	v8 =	vadd.s32 v0, v8;
	v24 =	vadd.s32 v0, v9;
	v5 =	vmin.u32 v5, $0x2698;
	[tilespmem:$0x134C8] =	vst v1  }
0x54: {  	v2 =	vshrl.u32 v2, $0x2;
	v4 =	vshrl.u32 v4, $0x2;
	v7 =	vmin.u32 v7, $0x2698;
	[tilespmem:$0x13508] =	vst v5  }
0x55: {  	v6 =	vshrl.u32 v6, $0x2;
	v30 =	vmin.u32 v24, $0x2698;
	v3 =	vadd.s32 v52, v3;
	[tilespmem:$0x13528] =	vst v7  }
0x56: {  	v2 =	vadd.s32 v0, v2;
	v1 =	vmin.u32 v8, $0x2698;
	[tilespmem:$0x13548] =	vst v30;
	v3 =	vadd.s32 $0x120, v3  }
0x57: {  	v4 =	vadd.s32 v0, v4;
	v2 =	vmin.u32 v2, $0x2698;
	[tilespmem:$0x13538] =	vst v1;
	v3 =	vshrl.u32 v3, $0x2  }
0x58: {  	v6 =	vadd.s32 v0, v6;
	v4 =	vmin.u32 v4, $0x2698;
	[tilespmem:$0x134D8] =	vst v2;
	v3 =	vadd.s32 v0, v3  }
0x59: {  	v5 =	vshrl.u32 v36, $0x2;
	v6 =	vmin.u32 v6, $0x2698;
	[tilespmem:$0x134E8] =	vst v4;
	v3 =	vmin.u32 v3, $0x2698  }
0x5a: {  	v5 =	vadd.s32 v0, v5;
	v2 =	vshrl.u32 v25, $0x2;
	[tilespmem:$0x134F8] =	vst v3;
	v3 =	vshrl.u32 v31, $0x2  }
0x5b: {  	[tilespmem:$0x13518] =	vst v6;
	v6 =	vadd.s32 $0x120, v38;
	v1 =	vmin.u32 v5, $0x2698;
	v3 =	vadd.s32 v0, v3  }
0x5c: {  	v2 =	vadd.s32 v0, v2;
	v41 =	vshrl.u32 v6, $0x2;
	[tilespmem:$0x13578] =	vst v1;
	v3 =	vmin.u32 v3, $0x2698  }
0x5d: {  	v2 =	vmin.u32 v2, $0x2698;
	v43 =	vadd.s32 v0, v41;
	[tilespmem:$0x13568] =	vst v3;
	v3 =	vshrl.u32 v46, $0x2  }
0x5e: {  	[tilespmem:$0x13558] =	vst v2;
	v2 =	vmin.u32 v43, $0x2698;
	v1 =	vadd.s32 v0, v3;
	v3 =	vshrl.u32 v48, $0x2  }
0x5f: {  	[tilespmem:$0x13588] =	vst v2;
	v1 =	vmin.u32 v1, $0x2698;
	v2 =	vadd.s32 v0, v3;
	v3 =	vshrl.u32 v50, $0x2  }
0x60: {  	[tilespmem:$0x13598] =	vst v1;
	v1 =	vmin.u32 v2, $0x2698;
	v2 =	vadd.s32 v0, v3  }
0x61: {  	[tilespmem:$0x135A8] =	vst v1;
	v1 =	vmin.u32 v2, $0x2698  }
0x62: {  	[tilespmem:$0x135B8] =	vst v1  }
0x63: {  	[spmem:s1] =	stream.indirect.scatter.add.f32 [tilespmem:s17], [sflag:$0x1], $0x80, s19, s18, $0xb8;
	[tilespmem:$0x1B9C8] =	vst v63  }
0x64: {  	_ =	swait.ge [sflag:s13], $0x4000  }
0x65: {  	[sflag:s13] =	ssyncset.done $0x0  }
0x66: {  	[sflag:s13] =	ssyncadd.s32 $0xFFFFC000  }
0x67: {  	[spmem:s1] =	stream.indirect.scatter.add.f32 [tilespmem:s21], [sflag:$0x1], $0x80, s20, s18, $0xb8;
	[tilespmem:$0x1B9C8] =	vst v63  }
0x68: {  	_ =	swait.ge [sflag:s13], $0x4000  }
0x69: {  	[sflag:s13] =	ssyncset.done $0x0  }
0x6a: {  	[sflag:s13] =	ssyncadd.s32 $0xFFFFC000  }
0x6b: {  	[tilespmem:s17], [sflag:$0x1] =	stream.linear.gather [hbm4b:s8+s2], $0x8000, $0x38;
	[tilespmem:$0x1B9C8] =	vst v63  }
0x6c: {  	_ =	swait.ge [sflag:s13], $0x8000  }
0x6d: {  	[sflag:s13] =	ssyncset.done $0x0  }
0x6e: {  	[sflag:s13] =	ssyncadd.s32 $0xFFFF8000  }
0x6f: {  	v1 =	vld [tilespmem:$0x136C8]  }
0x70: {  	v2 =	vld [tilespmem:$0x138C8]  }
0x71: {  	v3 =	vld [tilespmem:$0x136D8]  }
0x72: {  	v51 =	vld [tilespmem:$0x138D8]  }
0x73: {  	v52 =	vld [tilespmem:$0x136E8]  }
0x74: {  	v53 =	vld [tilespmem:$0x138E8]  }
0x75: {  	v55 =	vld [tilespmem:$0x138F8]  }
0x76: {  	v56 =	vld [tilespmem:$0x13708]  }
0x77: {  	v57 =	vld [tilespmem:$0x13908]  }
0x78: {  	v58 =	vld [tilespmem:$0x13718]  }
0x79: {  	v59 =	vld [tilespmem:$0x13918]  }
0x7a: {  	v60 =	vld [tilespmem:$0x13728]  }
0x7b: {  	v61 =	vld [tilespmem:$0x13928]  }
0x7c: {  	v62 =	vld [tilespmem:$0x13738]  }
0x7d: {  	v63 =	vld [tilespmem:$0x13938]  }
0x7e: {  	v17 =	vld [tilespmem:$0x13748]  }
0x7f: {  	v18 =	vld [tilespmem:$0x13948]  }
0x80: {  	v19 =	vld [tilespmem:$0x13758]  }
0x81: {  	v20 =	vld [tilespmem:$0x13958]  }
0x82: {  	v21 =	vld [tilespmem:$0x13768]  }
0x83: {  	v22 =	vld [tilespmem:$0x13968]  }
0x84: {  	v24 =	vld [tilespmem:$0x13978]  }
0x85: {  	v26 =	vld [tilespmem:$0x13988]  }
0x86: {  	v35 =	vld [tilespmem:$0x139A8]  }
0x87: {  	v38 =	vld [tilespmem:$0x139B8]  }
0x88: {  	v23 =	vld [tilespmem:$0x13778];
	v2 =	vmul.u32 $0x120, v2;
	v4 =	vmul.u32 $0x120, v51;
	v6 =	vmul.u32 $0x120, v53  }
0x89: {  	v25 =	vld [tilespmem:$0x13788];
	v28 =	vmul.u32 $0x120, v57;
	v31 =	vmul.u32 $0x120, v59;
	v34 =	vmul.u32 $0x120, v61  }
0x8a: {  	v32 =	vld [tilespmem:$0x13998];
	v36 =	vmul.u32 $0x120, v63;
	v37 =	vmul.u32 $0x120, v18;
	v39 =	vmul.u32 $0x120, v20  }
0x8b: {  	v41 =	vld [tilespmem:$0x137A8];
	v40 =	vmul.u32 $0x120, v22;
	v42 =	vmul.u32 $0x120, v24;
	v44 =	vmul.u32 $0x120, v26  }
0x8c: {  	v43 =	vld [tilespmem:$0x137B8];
	v9 =	vmul.u32 $0x120, v35;
	v14 =	vmul.u32 $0x120, v38;
	v1 =	vadd.s32 v2, v1  }
0x8d: {  	v2 =	vmul.u32 $0x120, v55;
	v3 =	vadd.s32 v4, v3;
	v30 =	vadd.s32 v6, v52  }
0x8e: {  	v33 =	vadd.s32 v28, v56;
	v5 =	vadd.s32 v31, v58;
	v8 =	vadd.s32 v34, v60  }
0x8f: {  	v11 =	vadd.s32 v36, v62;
	v12 =	vadd.s32 v37, v17;
	v13 =	vadd.s32 v39, v19  }
0x90: {  	v54 =	vld [tilespmem:$0x136F8];
	v16 =	vadd.s32 v40, v21;
	v15 =	vadd.s32 v42, v23;
	v6 =	vmul.u32 $0x120, v32  }
0x91: {  	v29 =	vld [tilespmem:$0x13798];
	v19 =	vadd.s32 v44, v25;
	v9 =	vadd.s32 v9, v41;
	v45 =	vadd.s32 v14, v43  }
0x92: {  	v1 =	vadd.s32 $0x120, v1;
	v3 =	vadd.s32 $0x120, v3;
	v4 =	vadd.s32 $0x120, v30  }
0x93: {  	v7 =	vadd.s32 $0x120, v33;
	v5 =	vadd.s32 $0x120, v5;
	v8 =	vadd.s32 $0x120, v8  }
0x94: {  	v48 =	vadd.s32 $0x120, v11;
	v51 =	vadd.s32 $0x120, v12;
	v53 =	vadd.s32 $0x120, v13  }
0x95: {  	v55 =	vadd.s32 $0x120, v16;
	v57 =	vadd.s32 $0x120, v15;
	v59 =	vadd.s32 $0x120, v19  }
0x96: {  	v62 =	vadd.s32 $0x120, v9;
	v2 =	vadd.s32 v2, v54;
	v6 =	vadd.s32 v6, v29  }
0x97: {  	v1 =	vshrl.u32 v1, $0x2;
	v3 =	vshrl.u32 v3, $0x2;
	v4 =	vshrl.u32 v4, $0x2  }
0x98: {  	v7 =	vshrl.u32 v7, $0x2;
	v5 =	vshrl.u32 v5, $0x2;
	v1 =	vadd.s32 v0, v1  }
0x99: {  	v46 =	vshrl.u32 v8, $0x2;
	v3 =	vadd.s32 v0, v3;
	v1 =	vmin.u32 v1, $0x2698  }
0x9a: {  	v50 =	vshrl.u32 v48, $0x2;
	v4 =	vadd.s32 v0, v4;
	v3 =	vmin.u32 v3, $0x2698;
	[tilespmem:$0x134C8] =	vst v1  }
0x9b: {  	v52 =	vshrl.u32 v51, $0x2;
	v47 =	vadd.s32 v0, v46;
	v4 =	vmin.u32 v4, $0x2698;
	[tilespmem:$0x134D8] =	vst v3  }
0x9c: {  	v2 =	vadd.s32 $0x120, v2;
	v7 =	vadd.s32 v0, v7;
	v49 =	vmin.u32 v47, $0x2698;
	[tilespmem:$0x134E8] =	vst v4  }
0x9d: {  	v5 =	vadd.s32 v0, v5;
	v2 =	vshrl.u32 v2, $0x2;
	v1 =	vmin.u32 v7, $0x2698;
	[tilespmem:$0x13528] =	vst v49  }
0x9e: {  	v54 =	vshrl.u32 v53, $0x2;
	v2 =	vadd.s32 v0, v2;
	v3 =	vmin.u32 v5, $0x2698;
	[tilespmem:$0x13508] =	vst v1  }
0x9f: {  	v56 =	vshrl.u32 v55, $0x2;
	v2 =	vmin.u32 v2, $0x2698;
	[tilespmem:$0x13518] =	vst v3;
	v3 =	vadd.s32 v0, v54  }
0xa0: {  	v58 =	vshrl.u32 v57, $0x2;
	[tilespmem:$0x134F8] =	vst v2;
	v2 =	vadd.s32 v0, v50;
	v3 =	vmin.u32 v3, $0x2698  }
0xa1: {  	v60 =	vshrl.u32 v59, $0x2;
	v1 =	vmin.u32 v2, $0x2698;
	v2 =	vadd.s32 v0, v52;
	[tilespmem:$0x13558] =	vst v3  }
0xa2: {  	v61 =	vadd.s32 $0x120, v6;
	v2 =	vmin.u32 v2, $0x2698;
	[tilespmem:$0x13538] =	vst v1;
	v1 =	vadd.s32 v0, v56  }
0xa3: {  	v3 =	vadd.s32 v0, v60;
	[tilespmem:$0x13548] =	vst v2;
	v1 =	vmin.u32 v1, $0x2698;
	v2 =	vadd.s32 v0, v58  }
0xa4: {  	v2 =	vmin.u32 v2, $0x2698;
	[tilespmem:$0x13568] =	vst v1;
	v1 =	vmin.u32 v3, $0x2698;
	v3 =	vshrl.u32 v61, $0x2  }
0xa5: {  	v63 =	vadd.s32 $0x120, v45;
	[tilespmem:$0x13578] =	vst v2;
	v2 =	vadd.s32 v0, v3;
	v3 =	vshrl.u32 v62, $0x2  }
0xa6: {  	[tilespmem:$0x13588] =	vst v1;
	v1 =	vmin.u32 v2, $0x2698;
	v2 =	vadd.s32 v0, v3;
	v3 =	vshrl.u32 v63, $0x2  }
0xa7: {  	[tilespmem:$0x13598] =	vst v1;
	v1 =	vmin.u32 v2, $0x2698;
	v2 =	vadd.s32 v0, v3  }
0xa8: {  	[tilespmem:$0x135A8] =	vst v1;
	v1 =	vmin.u32 v2, $0x2698  }
0xa9: {  	[tilespmem:$0x135B8] =	vst v1  }
0xaa: {  	[spmem:s1] =	stream.indirect.scatter.add.f32 [tilespmem:s17], [sflag:$0x1], $0x80, s19, s18, $0xb8;
	[tilespmem:$0x1B9C8] =	vst v63  }
0xab: {  	_ =	swait.ge [sflag:s13], $0x4000  }
0xac: {  	[sflag:s13] =	ssyncset.done $0x0  }
0xad: {  	[sflag:s13] =	ssyncadd.s32 $0xFFFFC000  }
0xae: {  	[spmem:s1] =	stream.indirect.scatter.add.f32 [tilespmem:s21], [sflag:$0x1], $0x80, s20, s18, $0xb8;
	[tilespmem:$0x1B9C8] =	vst v63  }
0xaf: {  	_ =	swait.ge [sflag:s13], $0x4000  }
0xb0: {  	[sflag:s13] =	ssyncset.done $0x0  }
0xb1: {  	[sflag:s13] =	ssyncadd.s32 $0xFFFFC000  }
0xb2: {  	[bflag:$0x0] =	sbarrier.arrive $0xFFFF  }
0xb3: {  	[hbm:s9], [sflag:s4] =	dma.local [spmem:s12], $0x2680  }
0xb4: {  	s11 =	sadd.s32 $0xFFFFFFFF, s11;
	_ =	swait.ge [sflag:s13], $0x2680  }
0xb5: {  	p1 =	sne.s32 s11, $0x0;
	[sflag:s13] =	ssyncset.done $0x0  }
.Ltmp0:
0xb6: {  	[sflag:s13] =	ssyncadd.s32 $0xFFFFD980;
	(pc) =	sbr.rel @p1 .LBB2_1-.Ltmp0, $4  }
0xb7: {  	[hbm:s10], [sflag:s4] =	dma.local @!p0 [spmem:s14], $0x180  }
0xb8: {  	_ =	swait.ge @!p0 [sflag:s22], $0x180  }
0xb9: {  	[sflag:s22] =	ssyncset.done @!p0 $0x0  }
0xba: {  	[sflag:s22] =	ssyncadd.s32 @!p0 $0xFFFFFE80  }
0xbb: {  	_ =	sfence.sel $0x180000  }
0xbc: {  	[bflag:$0x0] =	sbarrier.arrive $0xFFFF  }
0xbd: {  	_ =	strace $0x90000047  }
0xbe: {  	s0 =	sadd.s32 @!p0 $0x100000, s0;
	[bflag:$0x2] =	sbarrier.arrive $0xFFFF  }
0xbf: {  	[sflag:s0] =	ssyncadd.tile.s32 @!p0 $0x1;
	_ =	shalt  }
.Lfunc_end2:
_tile_overlayer_lowered:
.L_overlay_start_2:
0xc0: {  	(tag) =	ssettag $0x2  }
0xc1: {  	s0 =	rddreg [dreg:$0x0];
	s2 =	stileid.u32  }
0xc2: {  	s1 =	rddreg [dreg:$0x1];
	p0 =	sne.s32 s2, $0x0  }
0xc3: {  	s3 =	rddreg [dreg:$0x2];
	[bflag:$0x3] =	sbarrier.arrive $0xFFFF;
	s2 =	simm.s32 @!p0 $0x1C01  }
0xc4: {  	[timem:s3], [sflag:s2] =	dma.local @!p0 [hbm:s0], s1  }
0xc5: {  	s0 =	simm.s32 @!p0 $0x1  }
0xc6: {  	_ =	swait.ge @!p0 [sflag:s0], s1  }
0xc7: {  	s1 =	ssub.s32 @!p0 $0x0, s1;
	[sflag:s0] =	ssyncset.done @!p0 $0x0  }
0xc8: {  	[sflag:s0] =	ssyncadd.s32 @!p0 s1  }
0xc9: {  	[bflag:$0x3] =	sbarrier.arrive $0xFFFF  }
0xca: {  	_ =	shalt  }

</sc_bundles>
